<compile_context>
chip_gen: v7x
topology: tpu7x:2x2x1
jax: 0.10.2.dev20260603
libtpu: 0.0.44.dev20260713+nightly
codegen_flags: <defaults>
</compile_context>

<pallas_src>
import functools

import jax
import jax.numpy as jnp
from jax import lax
from jax.experimental import pallas as pl
from jax.experimental.pallas import tpu as pltpu
from jax.experimental.pallas import tpu_sc as plsc

B = 16384
D = 64
DP = 128
K = 20
NC = 2
NS = 16
NW = NC * NS
EPW = B // NW
CH = 16
NCH = EPW // CH
NPC = CH * K
ACC = K + 1


def _sc_body(w_tab, u_idx_h, v_idx_h, neg_idx_h,
             pos_h, neg_h,
             u_idx, v_idx, neg_idx,
             u_rows0, v_rows0, neg_rows0,
             u_rows1, v_rows1, neg_rows1,
             pos_out, neg_out, sem0, sem1):
    cid = lax.axis_index("c")
    sid = lax.axis_index("s")
    wid = sid * NC + cid

    pltpu.sync_copy(u_idx_h.at[pl.ds(wid * EPW, EPW)], u_idx)
    pltpu.sync_copy(v_idx_h.at[pl.ds(wid * EPW, EPW)], v_idx)
    pltpu.sync_copy(neg_idx_h.at[pl.ds(wid * EPW * K, EPW * K)], neg_idx)

    bufs = ((u_rows0, v_rows0, neg_rows0, sem0),
            (u_rows1, v_rows1, neg_rows1, sem1))

    def issue(c, buf):
        ur, vr, nr, sem = buf
        pltpu.async_copy(w_tab.at[u_idx.at[pl.ds(c * CH, CH)]], ur, sem)
        pltpu.async_copy(w_tab.at[v_idx.at[pl.ds(c * CH, CH)]], vr, sem)
        for j in range(5):
            pltpu.async_copy(
                w_tab.at[neg_idx.at[pl.ds(c * NPC + j * 64, 64)]],
                nr.at[pl.ds(j * 64, 64)], sem)

    def drain(buf):
        ur, vr, nr, sem = buf
        pltpu.make_async_copy(w_tab.at[pl.ds(0, CH)], ur, sem).wait()
        pltpu.make_async_copy(w_tab.at[pl.ds(0, CH)], vr, sem).wait()
        pltpu.make_async_copy(w_tab.at[pl.ds(0, NPC)], nr, sem).wait()

    def compute(c, buf):
        ur, vr, nr, _ = buf
        iota = lax.iota(jnp.int32, 16)
        e20 = iota * K
        zero = jnp.zeros((16,), jnp.float32)

        @plsc.parallel_loop(0, D, 1, unroll=2, carry=(zero,) * ACC)
        def _d(dd, accs):
            col = lax.broadcast(dd, (16,))
            col64 = col + D
            ut = plsc.load_gather(ur, [iota, col])
            vt = plsc.load_gather(vr, [iota, col64])
            new = [accs[0] + ut * vt]
            for k in range(K):
                nt = plsc.load_gather(nr, [e20 + k, col64])
                new.append(accs[k + 1] + ut * nt)
            return tuple(new)

        accs = _d
        base = c * CH
        plsc.store_scatter(pos_out, [base + iota], accs[0])
        nbase = base * K + e20
        for k in range(K):
            plsc.store_scatter(neg_out, [nbase + k], accs[k + 1])

    issue(0, bufs[0])

    @pl.loop(0, NCH // 2)
    def _pair(i):
        c0 = 2 * i
        issue(c0 + 1, bufs[1])
        drain(bufs[0])
        compute(c0, bufs[0])

        @pl.when(i < NCH // 2 - 1)
        def _():
            issue(c0 + 2, bufs[0])

        drain(bufs[1])
        compute(c0 + 1, bufs[1])

    pltpu.sync_copy(pos_out, pos_h.at[pl.ds(wid * EPW, EPW)])
    pltpu.sync_copy(neg_out, neg_h.at[pl.ds(wid * EPW * K, EPW * K)])


_sc_scores = functools.partial(
    pl.kernel,
    out_type=(jax.ShapeDtypeStruct((B,), jnp.float32),
              jax.ShapeDtypeStruct((B * K,), jnp.float32)),
    mesh=plsc.VectorSubcoreMesh(core_axis_name="c", subcore_axis_name="s",
                                num_cores=NC, num_subcores=NS),
    scratch_types=[
        pltpu.VMEM((B // NW,), jnp.int32),
        pltpu.VMEM((B // NW,), jnp.int32),
        pltpu.VMEM((B * K // NW,), jnp.int32),
        pltpu.VMEM((CH, DP), jnp.float32),
        pltpu.VMEM((CH, DP), jnp.float32),
        pltpu.VMEM((NPC, DP), jnp.float32),
        pltpu.VMEM((CH, DP), jnp.float32),
        pltpu.VMEM((CH, DP), jnp.float32),
        pltpu.VMEM((NPC, DP), jnp.float32),
        pltpu.VMEM((EPW,), jnp.float32),
        pltpu.VMEM((EPW * K,), jnp.float32),
        pltpu.SemaphoreType.DMA,
        pltpu.SemaphoreType.DMA,
    ],
    compiler_params=pltpu.CompilerParams(
        needs_layout_passes=False,
        use_tc_tiling_on_sc=True,
    ),
)(_sc_body)


def _loss_body(pos_ref, neg_ref, out_ref):
    p = pos_ref[...]
    n = -neg_ref[...]
    ls_p = jnp.minimum(p, 0.0) - jnp.log1p(jnp.exp(-jnp.abs(p)))
    ls_n = jnp.minimum(n, 0.0) - jnp.log1p(jnp.exp(-jnp.abs(n)))
    loss = -(jnp.sum(ls_p) / B + jnp.sum(ls_n) / (B * K)) * 0.5
    out_ref[0, 0] = loss


_loss_call = pl.pallas_call(
    _loss_body,
    out_shape=jax.ShapeDtypeStruct((1, 1), jnp.float32),
    out_specs=pl.BlockSpec(memory_space=pltpu.SMEM),
)


def kernel(u_table, v_table, u, v, negative_v):
    w_tab = jnp.concatenate([u_table, v_table], axis=1)
    neg1 = negative_v.reshape(B * K)
    pos, neg = _sc_scores(w_tab, u, v, neg1)
    loss = _loss_call(pos.reshape(128, 128), neg.reshape(B * K // 128, 128))
    return loss[0, 0]

# --- scband reference (transcript-rebuilt; emitter-appended) ---
"""Pipeline reference for scband-skip-gram-model-82179904242202 (READ-ONLY COPY).

The authoritative reference and input builder live on the scoring server;
editing this copy changes nothing except your own understanding.
"""

import jax, jax.numpy as jnp
import numpy as np

VOCAB = 1000000
DIM = 64
BATCH = 16384
NEG = 20


def setup_inputs(seed: int = 0) -> dict:
    key = jax.random.key(seed)
    k1, k2, k3, k4, k5 = jax.random.split(key, 5)
    u = jax.random.randint(k1, (BATCH,), 0, VOCAB, dtype=jnp.int64 if jax.config.jax_enable_x64 else jnp.int32).astype(jnp.int32)
    v = jax.random.randint(k2, (BATCH,), 0, VOCAB).astype(jnp.int32)
    negative_v = jax.random.randint(k3, (BATCH, NEG), 0, VOCAB).astype(jnp.int32)
    # learned parameters: torch inits u_embedding via init_embedding_ (uniform-ish scaled by dim)
    # and zeros for v_embedding; we use small random values so the reference math is non-degenerate.
    u_table = jax.random.normal(k4, (VOCAB, DIM), dtype=jnp.float32) * (0.5 / DIM)
    v_table = jax.random.normal(k5, (VOCAB, DIM), dtype=jnp.float32) * (0.5 / DIM)
    return {"u_table": u_table, "v_table": v_table, "u": u, "v": v, "negative_v": negative_v}


def reference(u_table, v_table, u, v, negative_v):
    # u_embedding(u) -> gather
    u_emb = jnp.take(u_table, u, axis=0)            # [B, D]
    v_emb = jnp.take(v_table, v, axis=0)            # [B, D]
    unnormalized_score = jnp.sum(u_emb * v_emb, axis=1)   # [B]
    score = jax.nn.log_sigmoid(unnormalized_score)        # [B]
    neg_emb = jnp.take(v_table, negative_v, axis=0)       # [B, K, D]
    # negative_v_embedding @ u_embedding.unsqueeze(2) -> [B, K, 1] -> squeeze -> [B, K]
    unnormalized_negative_score = jnp.einsum('bkd,bd->bk', neg_emb, u_emb)
    negative_score = jax.nn.log_sigmoid(-unnormalized_negative_score)  # [B, K]
    loss = -(jnp.mean(score) + jnp.mean(negative_score)) / 2.0
    return loss

if __name__ == "__main__":
    import jax
    _d = setup_inputs()
    print(jax.jit(kernel)(*tuple(_d.values())))

</pallas_src>

<mosaic_0001>
#map = affine_map<(d0, d1) -> (0, 0)>
#map1 = affine_map<(d0, d1) -> (0)>
module attributes {stable_mosaic.version = 14 : i64} {
  func.func @_sc_body(%arg0: i32, %arg1: i32, %arg2: memref<1000000x128xf32, #tpu.memory_space<hbm>>, %arg3: memref<16384xi32, #tpu.memory_space<hbm>>, %arg4: memref<16384xi32, #tpu.memory_space<hbm>>, %arg5: memref<327680xi32, #tpu.memory_space<hbm>>, %arg6: memref<16384xf32, #tpu.memory_space<hbm>>, %arg7: memref<327680xf32, #tpu.memory_space<hbm>>, %arg8: memref<512xi32, #tpu.memory_space<vmem>>, %arg9: memref<512xi32, #tpu.memory_space<vmem>>, %arg10: memref<10240xi32, #tpu.memory_space<vmem>>, %arg11: memref<16x128xf32, #tpu.memory_space<vmem>>, %arg12: memref<16x128xf32, #tpu.memory_space<vmem>>, %arg13: memref<320x128xf32, #tpu.memory_space<vmem>>, %arg14: memref<16x128xf32, #tpu.memory_space<vmem>>, %arg15: memref<16x128xf32, #tpu.memory_space<vmem>>, %arg16: memref<320x128xf32, #tpu.memory_space<vmem>>, %arg17: memref<512xf32, #tpu.memory_space<vmem>>, %arg18: memref<10240xf32, #tpu.memory_space<vmem>>, %arg19: memref<!tpu.dma_semaphore, #tpu.memory_space<semaphore_mem>>, %arg20: memref<!tpu.dma_semaphore, #tpu.memory_space<semaphore_mem>>) attributes {dimension_semantics = [#tpu.dimension_semantics<core_parallel>, #tpu.dimension_semantics<subcore_parallel>], iteration_bounds = array<i64: 2, 16>, scalar_prefetch = 0 : i64, scratch_operands = 13 : i64, tpu.core_type = #tpu.core_type<sc_vector_subcore>, window_params = [{transform_indices = #map}, {transform_indices = #map1}, {transform_indices = #map1}, {transform_indices = #map1}, {transform_indices = #map1}, {transform_indices = #map1}]} {
    %mul3A = arith.constant 2 : i32
    %mul3A_0 = arith.muli %arg1, %mul3A : i32
    %add3A = arith.addi %mul3A_0, %arg0 : i32
    %mul3A_1 = arith.constant 512 : i32
    %mul3A_2 = arith.muli %add3A, %mul3A_1 : i32
    "tpu.region"() ({
      %run_scoped3A = tpu.sem_alloc : memref<!tpu.dma_semaphore, #tpu.memory_space<semaphore_mem>>
      %dma_start3A_68 = tpu.memref_slice %arg3[%mul3A_2] : memref<16384xi32, #tpu.memory_space<hbm>> -> memref<512xi32, #tpu.memory_space<hbm>>
      %dma_start3A_69 = tpu.memref_slice %arg3[%mul3A_2] : memref<16384xi32, #tpu.memory_space<hbm>> -> memref<512xi32, #tpu.memory_space<hbm>>
      tpu.enqueue_dma source(%dma_start3A_69 : memref<512xi32, #tpu.memory_space<hbm>>) target(%arg8 : memref<512xi32, #tpu.memory_space<vmem>>) target_semaphore(%run_scoped3A : memref<!tpu.dma_semaphore, #tpu.memory_space<semaphore_mem>>)
      %dma_wait3A = tpu.memref_slice %arg3[%mul3A_2] : memref<16384xi32, #tpu.memory_space<hbm>> -> memref<512xi32, #tpu.memory_space<hbm>>
      %dma_wait3A_70 = tpu.memref_slice %arg3[%mul3A_2] : memref<16384xi32, #tpu.memory_space<hbm>> -> memref<512xi32, #tpu.memory_space<hbm>>
      tpu.wait_dma2 semaphore(%run_scoped3A : memref<!tpu.dma_semaphore, #tpu.memory_space<semaphore_mem>>) src(%dma_wait3A_70 : memref<512xi32, #tpu.memory_space<hbm>>) dst(%arg8 : memref<512xi32, #tpu.memory_space<vmem>>)
      tpu.yield
    }) : () -> ()
    %mul3A_3 = arith.constant 512 : i32
    %mul3A_4 = arith.muli %add3A, %mul3A_3 : i32
    "tpu.region"() ({
      %run_scoped3A = tpu.sem_alloc : memref<!tpu.dma_semaphore, #tpu.memory_space<semaphore_mem>>
      %dma_start3A_68 = tpu.memref_slice %arg4[%mul3A_4] : memref<16384xi32, #tpu.memory_space<hbm>> -> memref<512xi32, #tpu.memory_space<hbm>>
      %dma_start3A_69 = tpu.memref_slice %arg4[%mul3A_4] : memref<16384xi32, #tpu.memory_space<hbm>> -> memref<512xi32, #tpu.memory_space<hbm>>
      tpu.enqueue_dma source(%dma_start3A_69 : memref<512xi32, #tpu.memory_space<hbm>>) target(%arg9 : memref<512xi32, #tpu.memory_space<vmem>>) target_semaphore(%run_scoped3A : memref<!tpu.dma_semaphore, #tpu.memory_space<semaphore_mem>>)
      %dma_wait3A = tpu.memref_slice %arg4[%mul3A_4] : memref<16384xi32, #tpu.memory_space<hbm>> -> memref<512xi32, #tpu.memory_space<hbm>>
      %dma_wait3A_70 = tpu.memref_slice %arg4[%mul3A_4] : memref<16384xi32, #tpu.memory_space<hbm>> -> memref<512xi32, #tpu.memory_space<hbm>>
      tpu.wait_dma2 semaphore(%run_scoped3A : memref<!tpu.dma_semaphore, #tpu.memory_space<semaphore_mem>>) src(%dma_wait3A_70 : memref<512xi32, #tpu.memory_space<hbm>>) dst(%arg9 : memref<512xi32, #tpu.memory_space<vmem>>)
      tpu.yield
    }) : () -> ()
    %mul3A_5 = arith.constant 512 : i32
    %mul3A_6 = arith.muli %add3A, %mul3A_5 : i32
    %mul3A_7 = arith.constant 20 : i32
    %mul3A_8 = arith.muli %mul3A_6, %mul3A_7 : i32
    "tpu.region"() ({
      %run_scoped3A = tpu.sem_alloc : memref<!tpu.dma_semaphore, #tpu.memory_space<semaphore_mem>>
      %dma_start3A_68 = tpu.memref_slice %arg5[%mul3A_8] : memref<327680xi32, #tpu.memory_space<hbm>> -> memref<10240xi32, #tpu.memory_space<hbm>>
      %dma_start3A_69 = tpu.memref_slice %arg5[%mul3A_8] : memref<327680xi32, #tpu.memory_space<hbm>> -> memref<10240xi32, #tpu.memory_space<hbm>>
      tpu.enqueue_dma source(%dma_start3A_69 : memref<10240xi32, #tpu.memory_space<hbm>>) target(%arg10 : memref<10240xi32, #tpu.memory_space<vmem>>) target_semaphore(%run_scoped3A : memref<!tpu.dma_semaphore, #tpu.memory_space<semaphore_mem>>)
      %dma_wait3A = tpu.memref_slice %arg5[%mul3A_8] : memref<327680xi32, #tpu.memory_space<hbm>> -> memref<10240xi32, #tpu.memory_space<hbm>>
      %dma_wait3A_70 = tpu.memref_slice %arg5[%mul3A_8] : memref<327680xi32, #tpu.memory_space<hbm>> -> memref<10240xi32, #tpu.memory_space<hbm>>
      tpu.wait_dma2 semaphore(%run_scoped3A : memref<!tpu.dma_semaphore, #tpu.memory_space<semaphore_mem>>) src(%dma_wait3A_70 : memref<10240xi32, #tpu.memory_space<hbm>>) dst(%arg10 : memref<10240xi32, #tpu.memory_space<vmem>>)
      tpu.yield
    }) : () -> ()
    %dma_start3A = arith.constant 0 : i32
    %dma_start3A_9 = tpu.memref_slice %arg8[%dma_start3A] : memref<512xi32, #tpu.memory_space<vmem>> -> memref<16xi32, #tpu.memory_space<vmem>>
    %dma_start3A_10 = arith.constant 0 : i32
    %dma_start3A_11 = arith.constant 0 : i32
    %dma_start3A_12 = tpu.memref_slice %arg2[%dma_start3A_10, %dma_start3A_11] : memref<1000000x128xf32, #tpu.memory_space<hbm>> -> memref<1000000x128xf32, #tpu.memory_space<hbm>>
    tpu.enqueue_indirect_dma source(%dma_start3A_12 : memref<1000000x128xf32, #tpu.memory_space<hbm>>) target(%arg11 : memref<16x128xf32, #tpu.memory_space<vmem>>) offsets(%dma_start3A_9 : memref<16xi32, #tpu.memory_space<vmem>>) semaphore(%arg19 : memref<!tpu.dma_semaphore, #tpu.memory_space<semaphore_mem>>)
    %dma_start3A_13 = arith.constant 0 : i32
    %dma_start3A_14 = tpu.memref_slice %arg9[%dma_start3A_13] : memref<512xi32, #tpu.memory_space<vmem>> -> memref<16xi32, #tpu.memory_space<vmem>>
    %dma_start3A_15 = arith.constant 0 : i32
    %dma_start3A_16 = arith.constant 0 : i32
    %dma_start3A_17 = tpu.memref_slice %arg2[%dma_start3A_15, %dma_start3A_16] : memref<1000000x128xf32, #tpu.memory_space<hbm>> -> memref<1000000x128xf32, #tpu.memory_space<hbm>>
    tpu.enqueue_indirect_dma source(%dma_start3A_17 : memref<1000000x128xf32, #tpu.memory_space<hbm>>) target(%arg12 : memref<16x128xf32, #tpu.memory_space<vmem>>) offsets(%dma_start3A_14 : memref<16xi32, #tpu.memory_space<vmem>>) semaphore(%arg19 : memref<!tpu.dma_semaphore, #tpu.memory_space<semaphore_mem>>)
    %dma_start3A_18 = arith.constant 0 : i32
    %dma_start3A_19 = arith.constant 0 : i32
    %dma_start3A_20 = tpu.memref_slice %arg13[%dma_start3A_18, %dma_start3A_19] : memref<320x128xf32, #tpu.memory_space<vmem>> -> memref<64x128xf32, #tpu.memory_space<vmem>>
    %dma_start3A_21 = arith.constant 0 : i32
    %dma_start3A_22 = tpu.memref_slice %arg10[%dma_start3A_21] : memref<10240xi32, #tpu.memory_space<vmem>> -> memref<64xi32, #tpu.memory_space<vmem>>
    %dma_start3A_23 = arith.constant 0 : i32
    %dma_start3A_24 = arith.constant 0 : i32
    %dma_start3A_25 = tpu.memref_slice %arg2[%dma_start3A_23, %dma_start3A_24] : memref<1000000x128xf32, #tpu.memory_space<hbm>> -> memref<1000000x128xf32, #tpu.memory_space<hbm>>
    tpu.enqueue_indirect_dma source(%dma_start3A_25 : memref<1000000x128xf32, #tpu.memory_space<hbm>>) target(%dma_start3A_20 : memref<64x128xf32, #tpu.memory_space<vmem>>) offsets(%dma_start3A_22 : memref<64xi32, #tpu.memory_space<vmem>>) semaphore(%arg19 : memref<!tpu.dma_semaphore, #tpu.memory_space<semaphore_mem>>)
    %dma_start3A_26 = arith.constant 64 : i32
    %dma_start3A_27 = arith.constant 0 : i32
    %dma_start3A_28 = tpu.memref_slice %arg13[%dma_start3A_26, %dma_start3A_27] : memref<320x128xf32, #tpu.memory_space<vmem>> -> memref<64x128xf32, #tpu.memory_space<vmem>>
    %dma_start3A_29 = arith.constant 64 : i32
    %dma_start3A_30 = tpu.memref_slice %arg10[%dma_start3A_29] : memref<10240xi32, #tpu.memory_space<vmem>> -> memref<64xi32, #tpu.memory_space<vmem>>
    %dma_start3A_31 = arith.constant 0 : i32
    %dma_start3A_32 = arith.constant 0 : i32
    %dma_start3A_33 = tpu.memref_slice %arg2[%dma_start3A_31, %dma_start3A_32] : memref<1000000x128xf32, #tpu.memory_space<hbm>> -> memref<1000000x128xf32, #tpu.memory_space<hbm>>
    tpu.enqueue_indirect_dma source(%dma_start3A_33 : memref<1000000x128xf32, #tpu.memory_space<hbm>>) target(%dma_start3A_28 : memref<64x128xf32, #tpu.memory_space<vmem>>) offsets(%dma_start3A_30 : memref<64xi32, #tpu.memory_space<vmem>>) semaphore(%arg19 : memref<!tpu.dma_semaphore, #tpu.memory_space<semaphore_mem>>)
    %dma_start3A_34 = arith.constant 128 : i32
    %dma_start3A_35 = arith.constant 0 : i32
    %dma_start3A_36 = tpu.memref_slice %arg13[%dma_start3A_34, %dma_start3A_35] : memref<320x128xf32, #tpu.memory_space<vmem>> -> memref<64x128xf32, #tpu.memory_space<vmem>>
    %dma_start3A_37 = arith.constant 128 : i32
    %dma_start3A_38 = tpu.memref_slice %arg10[%dma_start3A_37] : memref<10240xi32, #tpu.memory_space<vmem>> -> memref<64xi32, #tpu.memory_space<vmem>>
    %dma_start3A_39 = arith.constant 0 : i32
    %dma_start3A_40 = arith.constant 0 : i32
    %dma_start3A_41 = tpu.memref_slice %arg2[%dma_start3A_39, %dma_start3A_40] : memref<1000000x128xf32, #tpu.memory_space<hbm>> -> memref<1000000x128xf32, #tpu.memory_space<hbm>>
    tpu.enqueue_indirect_dma source(%dma_start3A_41 : memref<1000000x128xf32, #tpu.memory_space<hbm>>) target(%dma_start3A_36 : memref<64x128xf32, #tpu.memory_space<vmem>>) offsets(%dma_start3A_38 : memref<64xi32, #tpu.memory_space<vmem>>) semaphore(%arg19 : memref<!tpu.dma_semaphore, #tpu.memory_space<semaphore_mem>>)
    %dma_start3A_42 = arith.constant 192 : i32
    %dma_start3A_43 = arith.constant 0 : i32
    %dma_start3A_44 = tpu.memref_slice %arg13[%dma_start3A_42, %dma_start3A_43] : memref<320x128xf32, #tpu.memory_space<vmem>> -> memref<64x128xf32, #tpu.memory_space<vmem>>
    %dma_start3A_45 = arith.constant 192 : i32
    %dma_start3A_46 = tpu.memref_slice %arg10[%dma_start3A_45] : memref<10240xi32, #tpu.memory_space<vmem>> -> memref<64xi32, #tpu.memory_space<vmem>>
    %dma_start3A_47 = arith.constant 0 : i32
    %dma_start3A_48 = arith.constant 0 : i32
    %dma_start3A_49 = tpu.memref_slice %arg2[%dma_start3A_47, %dma_start3A_48] : memref<1000000x128xf32, #tpu.memory_space<hbm>> -> memref<1000000x128xf32, #tpu.memory_space<hbm>>
    tpu.enqueue_indirect_dma source(%dma_start3A_49 : memref<1000000x128xf32, #tpu.memory_space<hbm>>) target(%dma_start3A_44 : memref<64x128xf32, #tpu.memory_space<vmem>>) offsets(%dma_start3A_46 : memref<64xi32, #tpu.memory_space<vmem>>) semaphore(%arg19 : memref<!tpu.dma_semaphore, #tpu.memory_space<semaphore_mem>>)
    %dma_start3A_50 = arith.constant 256 : i32
    %dma_start3A_51 = arith.constant 0 : i32
    %dma_start3A_52 = tpu.memref_slice %arg13[%dma_start3A_50, %dma_start3A_51] : memref<320x128xf32, #tpu.memory_space<vmem>> -> memref<64x128xf32, #tpu.memory_space<vmem>>
    %dma_start3A_53 = arith.constant 256 : i32
    %dma_start3A_54 = tpu.memref_slice %arg10[%dma_start3A_53] : memref<10240xi32, #tpu.memory_space<vmem>> -> memref<64xi32, #tpu.memory_space<vmem>>
    %dma_start3A_55 = arith.constant 0 : i32
    %dma_start3A_56 = arith.constant 0 : i32
    %dma_start3A_57 = tpu.memref_slice %arg2[%dma_start3A_55, %dma_start3A_56] : memref<1000000x128xf32, #tpu.memory_space<hbm>> -> memref<1000000x128xf32, #tpu.memory_space<hbm>>
    tpu.enqueue_indirect_dma source(%dma_start3A_57 : memref<1000000x128xf32, #tpu.memory_space<hbm>>) target(%dma_start3A_52 : memref<64x128xf32, #tpu.memory_space<vmem>>) offsets(%dma_start3A_54 : memref<64xi32, #tpu.memory_space<vmem>>) semaphore(%arg19 : memref<!tpu.dma_semaphore, #tpu.memory_space<semaphore_mem>>)
    %scan3A = arith.constant 0 : i32
    %scan3A_58 = arith.constant 16 : i32
    %scan3A_59 = arith.addi %scan3A, %scan3A_58 : i32
    %scan3A_60 = arith.constant 1 : i32
    scf.for %scan3A_68 = %scan3A to %scan3A_59 step %scan3A_60  : i32 {
      %mul3A_69 = arith.constant 1 : i32
      %mul3A_70 = arith.muli %scan3A_68, %mul3A_69 : i32
      %add3A_71 = arith.constant 0 : i32
      %add3A_72 = arith.addi %add3A_71, %mul3A_70 : i32
      %mul3A_73 = arith.constant 2 : i32
      %mul3A_74 = arith.muli %mul3A_73, %add3A_72 : i32
      %add3A_75 = arith.constant 1 : i32
      %add3A_76 = arith.addi %mul3A_74, %add3A_75 : i32
      %mul3A_77 = arith.constant 16 : i32
      %mul3A_78 = arith.muli %add3A_76, %mul3A_77 : i32
      %dma_start3A_79 = tpu.memref_slice %arg8[%mul3A_78] : memref<512xi32, #tpu.memory_space<vmem>> -> memref<16xi32, #tpu.memory_space<vmem>>
      %dma_start3A_80 = arith.constant 0 : i32
      %dma_start3A_81 = arith.constant 0 : i32
      %dma_start3A_82 = tpu.memref_slice %arg2[%dma_start3A_80, %dma_start3A_81] : memref<1000000x128xf32, #tpu.memory_space<hbm>> -> memref<1000000x128xf32, #tpu.memory_space<hbm>>
      tpu.enqueue_indirect_dma source(%dma_start3A_82 : memref<1000000x128xf32, #tpu.memory_space<hbm>>) target(%arg14 : memref<16x128xf32, #tpu.memory_space<vmem>>) offsets(%dma_start3A_79 : memref<16xi32, #tpu.memory_space<vmem>>) semaphore(%arg20 : memref<!tpu.dma_semaphore, #tpu.memory_space<semaphore_mem>>)
      %mul3A_83 = arith.constant 16 : i32
      %mul3A_84 = arith.muli %add3A_76, %mul3A_83 : i32
      %dma_start3A_85 = tpu.memref_slice %arg9[%mul3A_84] : memref<512xi32, #tpu.memory_space<vmem>> -> memref<16xi32, #tpu.memory_space<vmem>>
      %dma_start3A_86 = arith.constant 0 : i32
      %dma_start3A_87 = arith.constant 0 : i32
      %dma_start3A_88 = tpu.memref_slice %arg2[%dma_start3A_86, %dma_start3A_87] : memref<1000000x128xf32, #tpu.memory_space<hbm>> -> memref<1000000x128xf32, #tpu.memory_space<hbm>>
      tpu.enqueue_indirect_dma source(%dma_start3A_88 : memref<1000000x128xf32, #tpu.memory_space<hbm>>) target(%arg15 : memref<16x128xf32, #tpu.memory_space<vmem>>) offsets(%dma_start3A_85 : memref<16xi32, #tpu.memory_space<vmem>>) semaphore(%arg20 : memref<!tpu.dma_semaphore, #tpu.memory_space<semaphore_mem>>)
      %mul3A_89 = arith.constant 320 : i32
      %mul3A_90 = arith.muli %add3A_76, %mul3A_89 : i32
      %add3A_91 = arith.constant 0 : i32
      %add3A_92 = arith.addi %mul3A_90, %add3A_91 : i32
      %dma_start3A_93 = arith.constant 0 : i32
      %dma_start3A_94 = arith.constant 0 : i32
      %dma_start3A_95 = tpu.memref_slice %arg16[%dma_start3A_93, %dma_start3A_94] : memref<320x128xf32, #tpu.memory_space<vmem>> -> memref<64x128xf32, #tpu.memory_space<vmem>>
      %dma_start3A_96 = tpu.memref_slice %arg10[%add3A_92] : memref<10240xi32, #tpu.memory_space<vmem>> -> memref<64xi32, #tpu.memory_space<vmem>>
      %dma_start3A_97 = arith.constant 0 : i32
      %dma_start3A_98 = arith.constant 0 : i32
      %dma_start3A_99 = tpu.memref_slice %arg2[%dma_start3A_97, %dma_start3A_98] : memref<1000000x128xf32, #tpu.memory_space<hbm>> -> memref<1000000x128xf32, #tpu.memory_space<hbm>>
      tpu.enqueue_indirect_dma source(%dma_start3A_99 : memref<1000000x128xf32, #tpu.memory_space<hbm>>) target(%dma_start3A_95 : memref<64x128xf32, #tpu.memory_space<vmem>>) offsets(%dma_start3A_96 : memref<64xi32, #tpu.memory_space<vmem>>) semaphore(%arg20 : memref<!tpu.dma_semaphore, #tpu.memory_space<semaphore_mem>>)
      %mul3A_100 = arith.constant 320 : i32
      %mul3A_101 = arith.muli %add3A_76, %mul3A_100 : i32
      %add3A_102 = arith.constant 64 : i32
      %add3A_103 = arith.addi %mul3A_101, %add3A_102 : i32
      %dma_start3A_104 = arith.constant 64 : i32
      %dma_start3A_105 = arith.constant 0 : i32
      %dma_start3A_106 = tpu.memref_slice %arg16[%dma_start3A_104, %dma_start3A_105] : memref<320x128xf32, #tpu.memory_space<vmem>> -> memref<64x128xf32, #tpu.memory_space<vmem>>
      %dma_start3A_107 = tpu.memref_slice %arg10[%add3A_103] : memref<10240xi32, #tpu.memory_space<vmem>> -> memref<64xi32, #tpu.memory_space<vmem>>
      %dma_start3A_108 = arith.constant 0 : i32
      %dma_start3A_109 = arith.constant 0 : i32
      %dma_start3A_110 = tpu.memref_slice %arg2[%dma_start3A_108, %dma_start3A_109] : memref<1000000x128xf32, #tpu.memory_space<hbm>> -> memref<1000000x128xf32, #tpu.memory_space<hbm>>
      tpu.enqueue_indirect_dma source(%dma_start3A_110 : memref<1000000x128xf32, #tpu.memory_space<hbm>>) target(%dma_start3A_106 : memref<64x128xf32, #tpu.memory_space<vmem>>) offsets(%dma_start3A_107 : memref<64xi32, #tpu.memory_space<vmem>>) semaphore(%arg20 : memref<!tpu.dma_semaphore, #tpu.memory_space<semaphore_mem>>)
      %mul3A_111 = arith.constant 320 : i32
      %mul3A_112 = arith.muli %add3A_76, %mul3A_111 : i32
      %add3A_113 = arith.constant 128 : i32
      %add3A_114 = arith.addi %mul3A_112, %add3A_113 : i32
      %dma_start3A_115 = arith.constant 128 : i32
      %dma_start3A_116 = arith.constant 0 : i32
      %dma_start3A_117 = tpu.memref_slice %arg16[%dma_start3A_115, %dma_start3A_116] : memref<320x128xf32, #tpu.memory_space<vmem>> -> memref<64x128xf32, #tpu.memory_space<vmem>>
      %dma_start3A_118 = tpu.memref_slice %arg10[%add3A_114] : memref<10240xi32, #tpu.memory_space<vmem>> -> memref<64xi32, #tpu.memory_space<vmem>>
      %dma_start3A_119 = arith.constant 0 : i32
      %dma_start3A_120 = arith.constant 0 : i32
      %dma_start3A_121 = tpu.memref_slice %arg2[%dma_start3A_119, %dma_start3A_120] : memref<1000000x128xf32, #tpu.memory_space<hbm>> -> memref<1000000x128xf32, #tpu.memory_space<hbm>>
      tpu.enqueue_indirect_dma source(%dma_start3A_121 : memref<1000000x128xf32, #tpu.memory_space<hbm>>) target(%dma_start3A_117 : memref<64x128xf32, #tpu.memory_space<vmem>>) offsets(%dma_start3A_118 : memref<64xi32, #tpu.memory_space<vmem>>) semaphore(%arg20 : memref<!tpu.dma_semaphore, #tpu.memory_space<semaphore_mem>>)
      %mul3A_122 = arith.constant 320 : i32
      %mul3A_123 = arith.muli %add3A_76, %mul3A_122 : i32
      %add3A_124 = arith.constant 192 : i32
      %add3A_125 = arith.addi %mul3A_123, %add3A_124 : i32
      %dma_start3A_126 = arith.constant 192 : i32
      %dma_start3A_127 = arith.constant 0 : i32
      %dma_start3A_128 = tpu.memref_slice %arg16[%dma_start3A_126, %dma_start3A_127] : memref<320x128xf32, #tpu.memory_space<vmem>> -> memref<64x128xf32, #tpu.memory_space<vmem>>
      %dma_start3A_129 = tpu.memref_slice %arg10[%add3A_125] : memref<10240xi32, #tpu.memory_space<vmem>> -> memref<64xi32, #tpu.memory_space<vmem>>
      %dma_start3A_130 = arith.constant 0 : i32
      %dma_start3A_131 = arith.constant 0 : i32
      %dma_start3A_132 = tpu.memref_slice %arg2[%dma_start3A_130, %dma_start3A_131] : memref<1000000x128xf32, #tpu.memory_space<hbm>> -> memref<1000000x128xf32, #tpu.memory_space<hbm>>
      tpu.enqueue_indirect_dma source(%dma_start3A_132 : memref<1000000x128xf32, #tpu.memory_space<hbm>>) target(%dma_start3A_128 : memref<64x128xf32, #tpu.memory_space<vmem>>) offsets(%dma_start3A_129 : memref<64xi32, #tpu.memory_space<vmem>>) semaphore(%arg20 : memref<!tpu.dma_semaphore, #tpu.memory_space<semaphore_mem>>)
      %mul3A_133 = arith.constant 320 : i32
      %mul3A_134 = arith.muli %add3A_76, %mul3A_133 : i32
      %add3A_135 = arith.constant 256 : i32
      %add3A_136 = arith.addi %mul3A_134, %add3A_135 : i32
      %dma_start3A_137 = arith.constant 256 : i32
      %dma_start3A_138 = arith.constant 0 : i32
      %dma_start3A_139 = tpu.memref_slice %arg16[%dma_start3A_137, %dma_start3A_138] : memref<320x128xf32, #tpu.memory_space<vmem>> -> memref<64x128xf32, #tpu.memory_space<vmem>>
      %dma_start3A_140 = tpu.memref_slice %arg10[%add3A_136] : memref<10240xi32, #tpu.memory_space<vmem>> -> memref<64xi32, #tpu.memory_space<vmem>>
      %dma_start3A_141 = arith.constant 0 : i32
      %dma_start3A_142 = arith.constant 0 : i32
      %dma_start3A_143 = tpu.memref_slice %arg2[%dma_start3A_141, %dma_start3A_142] : memref<1000000x128xf32, #tpu.memory_space<hbm>> -> memref<1000000x128xf32, #tpu.memory_space<hbm>>
      tpu.enqueue_indirect_dma source(%dma_start3A_143 : memref<1000000x128xf32, #tpu.memory_space<hbm>>) target(%dma_start3A_139 : memref<64x128xf32, #tpu.memory_space<vmem>>) offsets(%dma_start3A_140 : memref<64xi32, #tpu.memory_space<vmem>>) semaphore(%arg20 : memref<!tpu.dma_semaphore, #tpu.memory_space<semaphore_mem>>)
      %dma_wait3A = arith.constant 0 : i32
      %dma_wait3A_144 = arith.constant 0 : i32
      %dma_wait3A_145 = tpu.memref_slice %arg2[%dma_wait3A, %dma_wait3A_144] : memref<1000000x128xf32, #tpu.memory_space<hbm>> -> memref<16x128xf32, #tpu.memory_space<hbm>>
      %dma_wait3A_146 = arith.constant 0 : i32
      %dma_wait3A_147 = arith.constant 0 : i32
      %dma_wait3A_148 = tpu.memref_slice %arg2[%dma_wait3A_146, %dma_wait3A_147] : memref<1000000x128xf32, #tpu.memory_space<hbm>> -> memref<16x128xf32, #tpu.memory_space<hbm>>
      tpu.wait_dma2 semaphore(%arg19 : memref<!tpu.dma_semaphore, #tpu.memory_space<semaphore_mem>>) src(%dma_wait3A_148 : memref<16x128xf32, #tpu.memory_space<hbm>>) dst(%arg11 : memref<16x128xf32, #tpu.memory_space<vmem>>)
      %dma_wait3A_149 = arith.constant 0 : i32
      %dma_wait3A_150 = arith.constant 0 : i32
      %dma_wait3A_151 = tpu.memref_slice %arg2[%dma_wait3A_149, %dma_wait3A_150] : memref<1000000x128xf32, #tpu.memory_space<hbm>> -> memref<16x128xf32, #tpu.memory_space<hbm>>
      %dma_wait3A_152 = arith.constant 0 : i32
      %dma_wait3A_153 = arith.constant 0 : i32
      %dma_wait3A_154 = tpu.memref_slice %arg2[%dma_wait3A_152, %dma_wait3A_153] : memref<1000000x128xf32, #tpu.memory_space<hbm>> -> memref<16x128xf32, #tpu.memory_space<hbm>>
      tpu.wait_dma2 semaphore(%arg19 : memref<!tpu.dma_semaphore, #tpu.memory_space<semaphore_mem>>) src(%dma_wait3A_154 : memref<16x128xf32, #tpu.memory_space<hbm>>) dst(%arg12 : memref<16x128xf32, #tpu.memory_space<vmem>>)
      %dma_wait3A_155 = arith.constant 0 : i32
      %dma_wait3A_156 = arith.constant 0 : i32
      %dma_wait3A_157 = tpu.memref_slice %arg2[%dma_wait3A_155, %dma_wait3A_156] : memref<1000000x128xf32, #tpu.memory_space<hbm>> -> memref<320x128xf32, #tpu.memory_space<hbm>>
      %dma_wait3A_158 = arith.constant 0 : i32
      %dma_wait3A_159 = arith.constant 0 : i32
      %dma_wait3A_160 = tpu.memref_slice %arg2[%dma_wait3A_158, %dma_wait3A_159] : memref<1000000x128xf32, #tpu.memory_space<hbm>> -> memref<320x128xf32, #tpu.memory_space<hbm>>
      tpu.wait_dma2 semaphore(%arg19 : memref<!tpu.dma_semaphore, #tpu.memory_space<semaphore_mem>>) src(%dma_wait3A_160 : memref<320x128xf32, #tpu.memory_space<hbm>>) dst(%arg13 : memref<320x128xf32, #tpu.memory_space<vmem>>)
      %iota3A = tpu.iota {dimensions = array<i32: 0>} : vector<16xi32>
      %mul3A_161 = arith.constant 20 : i32
      %mul3A_162 = vector.broadcast %mul3A_161 : i32 to vector<16xi32>
      %mul3A_163 = arith.muli %iota3A, %mul3A_162 : vector<16xi32>
      %broadcast_in_dim3A = arith.constant 0.000000e+00 : f32
      %broadcast_in_dim3A_164 = vector.broadcast %broadcast_in_dim3A : f32 to vector<16xf32>
      %parallel_loop3A = arith.constant 0 : i32
      %parallel_loop3A_165 = arith.constant 64 : i32
      %parallel_loop3A_166 = arith.constant 1 : i32
      %parallel_loop3A_167:21 = scf.for %parallel_loop3A_336 = %parallel_loop3A to %parallel_loop3A_165 step %parallel_loop3A_166 iter_args(%parallel_loop3A_337 = %broadcast_in_dim3A_164, %parallel_loop3A_338 = %broadcast_in_dim3A_164, %parallel_loop3A_339 = %broadcast_in_dim3A_164, %parallel_loop3A_340 = %broadcast_in_dim3A_164, %parallel_loop3A_341 = %broadcast_in_dim3A_164, %parallel_loop3A_342 = %broadcast_in_dim3A_164, %parallel_loop3A_343 = %broadcast_in_dim3A_164, %parallel_loop3A_344 = %broadcast_in_dim3A_164, %parallel_loop3A_345 = %broadcast_in_dim3A_164, %parallel_loop3A_346 = %broadcast_in_dim3A_164, %parallel_loop3A_347 = %broadcast_in_dim3A_164, %parallel_loop3A_348 = %broadcast_in_dim3A_164, %parallel_loop3A_349 = %broadcast_in_dim3A_164, %parallel_loop3A_350 = %broadcast_in_dim3A_164, %parallel_loop3A_351 = %broadcast_in_dim3A_164, %parallel_loop3A_352 = %broadcast_in_dim3A_164, %parallel_loop3A_353 = %broadcast_in_dim3A_164, %parallel_loop3A_354 = %broadcast_in_dim3A_164, %parallel_loop3A_355 = %broadcast_in_dim3A_164, %parallel_loop3A_356 = %broadcast_in_dim3A_164, %parallel_loop3A_357 = %broadcast_in_dim3A_164) -> (vector<16xf32>, vector<16xf32>, vector<16xf32>, vector<16xf32>, vector<16xf32>, vector<16xf32>, vector<16xf32>, vector<16xf32>, vector<16xf32>, vector<16xf32>, vector<16xf32>, vector<16xf32>, vector<16xf32>, vector<16xf32>, vector<16xf32>, vector<16xf32>, vector<16xf32>, vector<16xf32>, vector<16xf32>, vector<16xf32>, vector<16xf32>)  : i32 {
        %parallel_loop3A_358 = vector.broadcast %parallel_loop3A_336 : i32 to vector<16xi32>
        %parallel_loop3A_359 = arith.constant 64 : i32
        %parallel_loop3A_360 = vector.broadcast %parallel_loop3A_359 : i32 to vector<16xi32>
        %parallel_loop3A_361 = arith.addi %parallel_loop3A_358, %parallel_loop3A_360 : vector<16xi32>
        %parallel_loop3A_362 = tpu.vector_load_idx %arg11[%iota3A, %parallel_loop3A_358] : memref<16x128xf32, #tpu.memory_space<vmem>>[vector<16xi32>, vector<16xi32>], vector<16xf32>,
        %parallel_loop3A_363 = tpu.vector_load_idx %arg12[%iota3A, %parallel_loop3A_361] : memref<16x128xf32, #tpu.memory_space<vmem>>[vector<16xi32>, vector<16xi32>], vector<16xf32>,
        %parallel_loop3A_364 = arith.mulf %parallel_loop3A_362, %parallel_loop3A_363 : vector<16xf32>
        %parallel_loop3A_365 = arith.addf %parallel_loop3A_337, %parallel_loop3A_364 : vector<16xf32>
        %parallel_loop3A_366 = arith.constant 0 : i32
        %parallel_loop3A_367 = vector.broadcast %parallel_loop3A_366 : i32 to vector<16xi32>
        %parallel_loop3A_368 = arith.addi %mul3A_163, %parallel_loop3A_367 : vector<16xi32>
        %parallel_loop3A_369 = tpu.vector_load_idx %arg13[%parallel_loop3A_368, %parallel_loop3A_361] : memref<320x128xf32, #tpu.memory_space<vmem>>[vector<16xi32>, vector<16xi32>], vector<16xf32>,
        %parallel_loop3A_370 = arith.mulf %parallel_loop3A_362, %parallel_loop3A_369 : vector<16xf32>
        %parallel_loop3A_371 = arith.addf %parallel_loop3A_338, %parallel_loop3A_370 : vector<16xf32>
        %parallel_loop3A_372 = arith.constant 1 : i32
        %parallel_loop3A_373 = vector.broadcast %parallel_loop3A_372 : i32 to vector<16xi32>
        %parallel_loop3A_374 = arith.addi %mul3A_163, %parallel_loop3A_373 : vector<16xi32>
        %parallel_loop3A_375 = tpu.vector_load_idx %arg13[%parallel_loop3A_374, %parallel_loop3A_361] : memref<320x128xf32, #tpu.memory_space<vmem>>[vector<16xi32>, vector<16xi32>], vector<16xf32>,
        %parallel_loop3A_376 = arith.mulf %parallel_loop3A_362, %parallel_loop3A_375 : vector<16xf32>
        %parallel_loop3A_377 = arith.addf %parallel_loop3A_339, %parallel_loop3A_376 : vector<16xf32>
        %parallel_loop3A_378 = arith.constant 2 : i32
        %parallel_loop3A_379 = vector.broadcast %parallel_loop3A_378 : i32 to vector<16xi32>
        %parallel_loop3A_380 = arith.addi %mul3A_163, %parallel_loop3A_379 : vector<16xi32>
        %parallel_loop3A_381 = tpu.vector_load_idx %arg13[%parallel_loop3A_380, %parallel_loop3A_361] : memref<320x128xf32, #tpu.memory_space<vmem>>[vector<16xi32>, vector<16xi32>], vector<16xf32>,
        %parallel_loop3A_382 = arith.mulf %parallel_loop3A_362, %parallel_loop3A_381 : vector<16xf32>
        %parallel_loop3A_383 = arith.addf %parallel_loop3A_340, %parallel_loop3A_382 : vector<16xf32>
        %parallel_loop3A_384 = arith.constant 3 : i32
        %parallel_loop3A_385 = vector.broadcast %parallel_loop3A_384 : i32 to vector<16xi32>
        %parallel_loop3A_386 = arith.addi %mul3A_163, %parallel_loop3A_385 : vector<16xi32>
        %parallel_loop3A_387 = tpu.vector_load_idx %arg13[%parallel_loop3A_386, %parallel_loop3A_361] : memref<320x128xf32, #tpu.memory_space<vmem>>[vector<16xi32>, vector<16xi32>], vector<16xf32>,
        %parallel_loop3A_388 = arith.mulf %parallel_loop3A_362, %parallel_loop3A_387 : vector<16xf32>
        %parallel_loop3A_389 = arith.addf %parallel_loop3A_341, %parallel_loop3A_388 : vector<16xf32>
        %parallel_loop3A_390 = arith.constant 4 : i32
        %parallel_loop3A_391 = vector.broadcast %parallel_loop3A_390 : i32 to vector<16xi32>
        %parallel_loop3A_392 = arith.addi %mul3A_163, %parallel_loop3A_391 : vector<16xi32>
        %parallel_loop3A_393 = tpu.vector_load_idx %arg13[%parallel_loop3A_392, %parallel_loop3A_361] : memref<320x128xf32, #tpu.memory_space<vmem>>[vector<16xi32>, vector<16xi32>], vector<16xf32>,
        %parallel_loop3A_394 = arith.mulf %parallel_loop3A_362, %parallel_loop3A_393 : vector<16xf32>
        %parallel_loop3A_395 = arith.addf %parallel_loop3A_342, %parallel_loop3A_394 : vector<16xf32>
        %parallel_loop3A_396 = arith.constant 5 : i32
        %parallel_loop3A_397 = vector.broadcast %parallel_loop3A_396 : i32 to vector<16xi32>
        %parallel_loop3A_398 = arith.addi %mul3A_163, %parallel_loop3A_397 : vector<16xi32>
        %parallel_loop3A_399 = tpu.vector_load_idx %arg13[%parallel_loop3A_398, %parallel_loop3A_361] : memref<320x128xf32, #tpu.memory_space<vmem>>[vector<16xi32>, vector<16xi32>], vector<16xf32>,
        %parallel_loop3A_400 = arith.mulf %parallel_loop3A_362, %parallel_loop3A_399 : vector<16xf32>
        %parallel_loop3A_401 = arith.addf %parallel_loop3A_343, %parallel_loop3A_400 : vector<16xf32>
        %parallel_loop3A_402 = arith.constant 6 : i32
        %parallel_loop3A_403 = vector.broadcast %parallel_loop3A_402 : i32 to vector<16xi32>
        %parallel_loop3A_404 = arith.addi %mul3A_163, %parallel_loop3A_403 : vector<16xi32>
        %parallel_loop3A_405 = tpu.vector_load_idx %arg13[%parallel_loop3A_404, %parallel_loop3A_361] : memref<320x128xf32, #tpu.memory_space<vmem>>[vector<16xi32>, vector<16xi32>], vector<16xf32>,
        %parallel_loop3A_406 = arith.mulf %parallel_loop3A_362, %parallel_loop3A_405 : vector<16xf32>
        %parallel_loop3A_407 = arith.addf %parallel_loop3A_344, %parallel_loop3A_406 : vector<16xf32>
        %parallel_loop3A_408 = arith.constant 7 : i32
        %parallel_loop3A_409 = vector.broadcast %parallel_loop3A_408 : i32 to vector<16xi32>
        %parallel_loop3A_410 = arith.addi %mul3A_163, %parallel_loop3A_409 : vector<16xi32>
        %parallel_loop3A_411 = tpu.vector_load_idx %arg13[%parallel_loop3A_410, %parallel_loop3A_361] : memref<320x128xf32, #tpu.memory_space<vmem>>[vector<16xi32>, vector<16xi32>], vector<16xf32>,
        %parallel_loop3A_412 = arith.mulf %parallel_loop3A_362, %parallel_loop3A_411 : vector<16xf32>
        %parallel_loop3A_413 = arith.addf %parallel_loop3A_345, %parallel_loop3A_412 : vector<16xf32>
        %parallel_loop3A_414 = arith.constant 8 : i32
        %parallel_loop3A_415 = vector.broadcast %parallel_loop3A_414 : i32 to vector<16xi32>
        %parallel_loop3A_416 = arith.addi %mul3A_163, %parallel_loop3A_415 : vector<16xi32>
        %parallel_loop3A_417 = tpu.vector_load_idx %arg13[%parallel_loop3A_416, %parallel_loop3A_361] : memref<320x128xf32, #tpu.memory_space<vmem>>[vector<16xi32>, vector<16xi32>], vector<16xf32>,
        %parallel_loop3A_418 = arith.mulf %parallel_loop3A_362, %parallel_loop3A_417 : vector<16xf32>
        %parallel_loop3A_419 = arith.addf %parallel_loop3A_346, %parallel_loop3A_418 : vector<16xf32>
        %parallel_loop3A_420 = arith.constant 9 : i32
        %parallel_loop3A_421 = vector.broadcast %parallel_loop3A_420 : i32 to vector<16xi32>
        %parallel_loop3A_422 = arith.addi %mul3A_163, %parallel_loop3A_421 : vector<16xi32>
        %parallel_loop3A_423 = tpu.vector_load_idx %arg13[%parallel_loop3A_422, %parallel_loop3A_361] : memref<320x128xf32, #tpu.memory_space<vmem>>[vector<16xi32>, vector<16xi32>], vector<16xf32>,
        %parallel_loop3A_424 = arith.mulf %parallel_loop3A_362, %parallel_loop3A_423 : vector<16xf32>
        %parallel_loop3A_425 = arith.addf %parallel_loop3A_347, %parallel_loop3A_424 : vector<16xf32>
        %parallel_loop3A_426 = arith.constant 10 : i32
        %parallel_loop3A_427 = vector.broadcast %parallel_loop3A_426 : i32 to vector<16xi32>
        %parallel_loop3A_428 = arith.addi %mul3A_163, %parallel_loop3A_427 : vector<16xi32>
        %parallel_loop3A_429 = tpu.vector_load_idx %arg13[%parallel_loop3A_428, %parallel_loop3A_361] : memref<320x128xf32, #tpu.memory_space<vmem>>[vector<16xi32>, vector<16xi32>], vector<16xf32>,
        %parallel_loop3A_430 = arith.mulf %parallel_loop3A_362, %parallel_loop3A_429 : vector<16xf32>
        %parallel_loop3A_431 = arith.addf %parallel_loop3A_348, %parallel_loop3A_430 : vector<16xf32>
        %parallel_loop3A_432 = arith.constant 11 : i32
        %parallel_loop3A_433 = vector.broadcast %parallel_loop3A_432 : i32 to vector<16xi32>
        %parallel_loop3A_434 = arith.addi %mul3A_163, %parallel_loop3A_433 : vector<16xi32>
        %parallel_loop3A_435 = tpu.vector_load_idx %arg13[%parallel_loop3A_434, %parallel_loop3A_361] : memref<320x128xf32, #tpu.memory_space<vmem>>[vector<16xi32>, vector<16xi32>], vector<16xf32>,
        %parallel_loop3A_436 = arith.mulf %parallel_loop3A_362, %parallel_loop3A_435 : vector<16xf32>
        %parallel_loop3A_437 = arith.addf %parallel_loop3A_349, %parallel_loop3A_436 : vector<16xf32>
        %parallel_loop3A_438 = arith.constant 12 : i32
        %parallel_loop3A_439 = vector.broadcast %parallel_loop3A_438 : i32 to vector<16xi32>
        %parallel_loop3A_440 = arith.addi %mul3A_163, %parallel_loop3A_439 : vector<16xi32>
        %parallel_loop3A_441 = tpu.vector_load_idx %arg13[%parallel_loop3A_440, %parallel_loop3A_361] : memref<320x128xf32, #tpu.memory_space<vmem>>[vector<16xi32>, vector<16xi32>], vector<16xf32>,
        %parallel_loop3A_442 = arith.mulf %parallel_loop3A_362, %parallel_loop3A_441 : vector<16xf32>
        %parallel_loop3A_443 = arith.addf %parallel_loop3A_350, %parallel_loop3A_442 : vector<16xf32>
        %parallel_loop3A_444 = arith.constant 13 : i32
        %parallel_loop3A_445 = vector.broadcast %parallel_loop3A_444 : i32 to vector<16xi32>
        %parallel_loop3A_446 = arith.addi %mul3A_163, %parallel_loop3A_445 : vector<16xi32>
        %parallel_loop3A_447 = tpu.vector_load_idx %arg13[%parallel_loop3A_446, %parallel_loop3A_361] : memref<320x128xf32, #tpu.memory_space<vmem>>[vector<16xi32>, vector<16xi32>], vector<16xf32>,
        %parallel_loop3A_448 = arith.mulf %parallel_loop3A_362, %parallel_loop3A_447 : vector<16xf32>
        %parallel_loop3A_449 = arith.addf %parallel_loop3A_351, %parallel_loop3A_448 : vector<16xf32>
        %parallel_loop3A_450 = arith.constant 14 : i32
        %parallel_loop3A_451 = vector.broadcast %parallel_loop3A_450 : i32 to vector<16xi32>
        %parallel_loop3A_452 = arith.addi %mul3A_163, %parallel_loop3A_451 : vector<16xi32>
        %parallel_loop3A_453 = tpu.vector_load_idx %arg13[%parallel_loop3A_452, %parallel_loop3A_361] : memref<320x128xf32, #tpu.memory_space<vmem>>[vector<16xi32>, vector<16xi32>], vector<16xf32>,
        %parallel_loop3A_454 = arith.mulf %parallel_loop3A_362, %parallel_loop3A_453 : vector<16xf32>
        %parallel_loop3A_455 = arith.addf %parallel_loop3A_352, %parallel_loop3A_454 : vector<16xf32>
        %parallel_loop3A_456 = arith.constant 15 : i32
        %parallel_loop3A_457 = vector.broadcast %parallel_loop3A_456 : i32 to vector<16xi32>
        %parallel_loop3A_458 = arith.addi %mul3A_163, %parallel_loop3A_457 : vector<16xi32>
        %parallel_loop3A_459 = tpu.vector_load_idx %arg13[%parallel_loop3A_458, %parallel_loop3A_361] : memref<320x128xf32, #tpu.memory_space<vmem>>[vector<16xi32>, vector<16xi32>], vector<16xf32>,
        %parallel_loop3A_460 = arith.mulf %parallel_loop3A_362, %parallel_loop3A_459 : vector<16xf32>
        %parallel_loop3A_461 = arith.addf %parallel_loop3A_353, %parallel_loop3A_460 : vector<16xf32>
        %parallel_loop3A_462 = arith.constant 16 : i32
        %parallel_loop3A_463 = vector.broadcast %parallel_loop3A_462 : i32 to vector<16xi32>
        %parallel_loop3A_464 = arith.addi %mul3A_163, %parallel_loop3A_463 : vector<16xi32>
        %parallel_loop3A_465 = tpu.vector_load_idx %arg13[%parallel_loop3A_464, %parallel_loop3A_361] : memref<320x128xf32, #tpu.memory_space<vmem>>[vector<16xi32>, vector<16xi32>], vector<16xf32>,
        %parallel_loop3A_466 = arith.mulf %parallel_loop3A_362, %parallel_loop3A_465 : vector<16xf32>
        %parallel_loop3A_467 = arith.addf %parallel_loop3A_354, %parallel_loop3A_466 : vector<16xf32>
        %parallel_loop3A_468 = arith.constant 17 : i32
        %parallel_loop3A_469 = vector.broadcast %parallel_loop3A_468 : i32 to vector<16xi32>
        %parallel_loop3A_470 = arith.addi %mul3A_163, %parallel_loop3A_469 : vector<16xi32>
        %parallel_loop3A_471 = tpu.vector_load_idx %arg13[%parallel_loop3A_470, %parallel_loop3A_361] : memref<320x128xf32, #tpu.memory_space<vmem>>[vector<16xi32>, vector<16xi32>], vector<16xf32>,
        %parallel_loop3A_472 = arith.mulf %parallel_loop3A_362, %parallel_loop3A_471 : vector<16xf32>
        %parallel_loop3A_473 = arith.addf %parallel_loop3A_355, %parallel_loop3A_472 : vector<16xf32>
        %parallel_loop3A_474 = arith.constant 18 : i32
        %parallel_loop3A_475 = vector.broadcast %parallel_loop3A_474 : i32 to vector<16xi32>
        %parallel_loop3A_476 = arith.addi %mul3A_163, %parallel_loop3A_475 : vector<16xi32>
        %parallel_loop3A_477 = tpu.vector_load_idx %arg13[%parallel_loop3A_476, %parallel_loop3A_361] : memref<320x128xf32, #tpu.memory_space<vmem>>[vector<16xi32>, vector<16xi32>], vector<16xf32>,
        %parallel_loop3A_478 = arith.mulf %parallel_loop3A_362, %parallel_loop3A_477 : vector<16xf32>
        %parallel_loop3A_479 = arith.addf %parallel_loop3A_356, %parallel_loop3A_478 : vector<16xf32>
        %parallel_loop3A_480 = arith.constant 19 : i32
        %parallel_loop3A_481 = vector.broadcast %parallel_loop3A_480 : i32 to vector<16xi32>
        %parallel_loop3A_482 = arith.addi %mul3A_163, %parallel_loop3A_481 : vector<16xi32>
        %parallel_loop3A_483 = tpu.vector_load_idx %arg13[%parallel_loop3A_482, %parallel_loop3A_361] : memref<320x128xf32, #tpu.memory_space<vmem>>[vector<16xi32>, vector<16xi32>], vector<16xf32>,
        %parallel_loop3A_484 = arith.mulf %parallel_loop3A_362, %parallel_loop3A_483 : vector<16xf32>
        %parallel_loop3A_485 = arith.addf %parallel_loop3A_357, %parallel_loop3A_484 : vector<16xf32>
        scf.yield %parallel_loop3A_365, %parallel_loop3A_371, %parallel_loop3A_377, %parallel_loop3A_383, %parallel_loop3A_389, %parallel_loop3A_395, %parallel_loop3A_401, %parallel_loop3A_407, %parallel_loop3A_413, %parallel_loop3A_419, %parallel_loop3A_425, %parallel_loop3A_431, %parallel_loop3A_437, %parallel_loop3A_443, %parallel_loop3A_449, %parallel_loop3A_455, %parallel_loop3A_461, %parallel_loop3A_467, %parallel_loop3A_473, %parallel_loop3A_479, %parallel_loop3A_485 : vector<16xf32>, vector<16xf32>, vector<16xf32>, vector<16xf32>, vector<16xf32>, vector<16xf32>, vector<16xf32>, vector<16xf32>, vector<16xf32>, vector<16xf32>, vector<16xf32>, vector<16xf32>, vector<16xf32>, vector<16xf32>, vector<16xf32>, vector<16xf32>, vector<16xf32>, vector<16xf32>, vector<16xf32>, vector<16xf32>, vector<16xf32>
      } {sc.loop_unroll_factor = 2 : i64, sc.parallel_access}
      %mul3A_168 = arith.constant 16 : i32
      %mul3A_169 = arith.muli %mul3A_74, %mul3A_168 : i32
      %add3A_170 = vector.broadcast %mul3A_169 : i32 to vector<16xi32>
      %add3A_171 = arith.addi %add3A_170, %iota3A : vector<16xi32>
      tpu.vector_store_idx %arg17[%add3A_171], %parallel_loop3A_167#0 : memref<512xf32, #tpu.memory_space<vmem>>[vector<16xi32>], vector<16xf32>,
      %mul3A_172 = arith.constant 20 : i32
      %mul3A_173 = arith.muli %mul3A_169, %mul3A_172 : i32
      %add3A_174 = vector.broadcast %mul3A_173 : i32 to vector<16xi32>
      %add3A_175 = arith.addi %add3A_174, %mul3A_163 : vector<16xi32>
      %add3A_176 = arith.constant 0 : i32
      %add3A_177 = vector.broadcast %add3A_176 : i32 to vector<16xi32>
      %add3A_178 = arith.addi %add3A_175, %add3A_177 : vector<16xi32>
      tpu.vector_store_idx %arg18[%add3A_178], %parallel_loop3A_167#1 : memref<10240xf32, #tpu.memory_space<vmem>>[vector<16xi32>], vector<16xf32>,
      %add3A_179 = arith.constant 1 : i32
      %add3A_180 = vector.broadcast %add3A_179 : i32 to vector<16xi32>
      %add3A_181 = arith.addi %add3A_175, %add3A_180 : vector<16xi32>
      tpu.vector_store_idx %arg18[%add3A_181], %parallel_loop3A_167#2 : memref<10240xf32, #tpu.memory_space<vmem>>[vector<16xi32>], vector<16xf32>,
      %add3A_182 = arith.constant 2 : i32
      %add3A_183 = vector.broadcast %add3A_182 : i32 to vector<16xi32>
      %add3A_184 = arith.addi %add3A_175, %add3A_183 : vector<16xi32>
      tpu.vector_store_idx %arg18[%add3A_184], %parallel_loop3A_167#3 : memref<10240xf32, #tpu.memory_space<vmem>>[vector<16xi32>], vector<16xf32>,
      %add3A_185 = arith.constant 3 : i32
      %add3A_186 = vector.broadcast %add3A_185 : i32 to vector<16xi32>
      %add3A_187 = arith.addi %add3A_175, %add3A_186 : vector<16xi32>
      tpu.vector_store_idx %arg18[%add3A_187], %parallel_loop3A_167#4 : memref<10240xf32, #tpu.memory_space<vmem>>[vector<16xi32>], vector<16xf32>,
      %add3A_188 = arith.constant 4 : i32
      %add3A_189 = vector.broadcast %add3A_188 : i32 to vector<16xi32>
      %add3A_190 = arith.addi %add3A_175, %add3A_189 : vector<16xi32>
      tpu.vector_store_idx %arg18[%add3A_190], %parallel_loop3A_167#5 : memref<10240xf32, #tpu.memory_space<vmem>>[vector<16xi32>], vector<16xf32>,
      %add3A_191 = arith.constant 5 : i32
      %add3A_192 = vector.broadcast %add3A_191 : i32 to vector<16xi32>
      %add3A_193 = arith.addi %add3A_175, %add3A_192 : vector<16xi32>
      tpu.vector_store_idx %arg18[%add3A_193], %parallel_loop3A_167#6 : memref<10240xf32, #tpu.memory_space<vmem>>[vector<16xi32>], vector<16xf32>,
      %add3A_194 = arith.constant 6 : i32
      %add3A_195 = vector.broadcast %add3A_194 : i32 to vector<16xi32>
      %add3A_196 = arith.addi %add3A_175, %add3A_195 : vector<16xi32>
      tpu.vector_store_idx %arg18[%add3A_196], %parallel_loop3A_167#7 : memref<10240xf32, #tpu.memory_space<vmem>>[vector<16xi32>], vector<16xf32>,
      %add3A_197 = arith.constant 7 : i32
      %add3A_198 = vector.broadcast %add3A_197 : i32 to vector<16xi32>
      %add3A_199 = arith.addi %add3A_175, %add3A_198 : vector<16xi32>
      tpu.vector_store_idx %arg18[%add3A_199], %parallel_loop3A_167#8 : memref<10240xf32, #tpu.memory_space<vmem>>[vector<16xi32>], vector<16xf32>,
      %add3A_200 = arith.constant 8 : i32
      %add3A_201 = vector.broadcast %add3A_200 : i32 to vector<16xi32>
      %add3A_202 = arith.addi %add3A_175, %add3A_201 : vector<16xi32>
      tpu.vector_store_idx %arg18[%add3A_202], %parallel_loop3A_167#9 : memref<10240xf32, #tpu.memory_space<vmem>>[vector<16xi32>], vector<16xf32>,
      %add3A_203 = arith.constant 9 : i32
      %add3A_204 = vector.broadcast %add3A_203 : i32 to vector<16xi32>
      %add3A_205 = arith.addi %add3A_175, %add3A_204 : vector<16xi32>
      tpu.vector_store_idx %arg18[%add3A_205], %parallel_loop3A_167#10 : memref<10240xf32, #tpu.memory_space<vmem>>[vector<16xi32>], vector<16xf32>,
      %add3A_206 = arith.constant 10 : i32
      %add3A_207 = vector.broadcast %add3A_206 : i32 to vector<16xi32>
      %add3A_208 = arith.addi %add3A_175, %add3A_207 : vector<16xi32>
      tpu.vector_store_idx %arg18[%add3A_208], %parallel_loop3A_167#11 : memref<10240xf32, #tpu.memory_space<vmem>>[vector<16xi32>], vector<16xf32>,
      %add3A_209 = arith.constant 11 : i32
      %add3A_210 = vector.broadcast %add3A_209 : i32 to vector<16xi32>
      %add3A_211 = arith.addi %add3A_175, %add3A_210 : vector<16xi32>
      tpu.vector_store_idx %arg18[%add3A_211], %parallel_loop3A_167#12 : memref<10240xf32, #tpu.memory_space<vmem>>[vector<16xi32>], vector<16xf32>,
      %add3A_212 = arith.constant 12 : i32
      %add3A_213 = vector.broadcast %add3A_212 : i32 to vector<16xi32>
      %add3A_214 = arith.addi %add3A_175, %add3A_213 : vector<16xi32>
      tpu.vector_store_idx %arg18[%add3A_214], %parallel_loop3A_167#13 : memref<10240xf32, #tpu.memory_space<vmem>>[vector<16xi32>], vector<16xf32>,
      %add3A_215 = arith.constant 13 : i32
      %add3A_216 = vector.broadcast %add3A_215 : i32 to vector<16xi32>
      %add3A_217 = arith.addi %add3A_175, %add3A_216 : vector<16xi32>
      tpu.vector_store_idx %arg18[%add3A_217], %parallel_loop3A_167#14 : memref<10240xf32, #tpu.memory_space<vmem>>[vector<16xi32>], vector<16xf32>,
      %add3A_218 = arith.constant 14 : i32
      %add3A_219 = vector.broadcast %add3A_218 : i32 to vector<16xi32>
      %add3A_220 = arith.addi %add3A_175, %add3A_219 : vector<16xi32>
      tpu.vector_store_idx %arg18[%add3A_220], %parallel_loop3A_167#15 : memref<10240xf32, #tpu.memory_space<vmem>>[vector<16xi32>], vector<16xf32>,
      %add3A_221 = arith.constant 15 : i32
      %add3A_222 = vector.broadcast %add3A_221 : i32 to vector<16xi32>
      %add3A_223 = arith.addi %add3A_175, %add3A_222 : vector<16xi32>
      tpu.vector_store_idx %arg18[%add3A_223], %parallel_loop3A_167#16 : memref<10240xf32, #tpu.memory_space<vmem>>[vector<16xi32>], vector<16xf32>,
      %add3A_224 = arith.constant 16 : i32
      %add3A_225 = vector.broadcast %add3A_224 : i32 to vector<16xi32>
      %add3A_226 = arith.addi %add3A_175, %add3A_225 : vector<16xi32>
      tpu.vector_store_idx %arg18[%add3A_226], %parallel_loop3A_167#17 : memref<10240xf32, #tpu.memory_space<vmem>>[vector<16xi32>], vector<16xf32>,
      %add3A_227 = arith.constant 17 : i32
      %add3A_228 = vector.broadcast %add3A_227 : i32 to vector<16xi32>
      %add3A_229 = arith.addi %add3A_175, %add3A_228 : vector<16xi32>
      tpu.vector_store_idx %arg18[%add3A_229], %parallel_loop3A_167#18 : memref<10240xf32, #tpu.memory_space<vmem>>[vector<16xi32>], vector<16xf32>,
      %add3A_230 = arith.constant 18 : i32
      %add3A_231 = vector.broadcast %add3A_230 : i32 to vector<16xi32>
      %add3A_232 = arith.addi %add3A_175, %add3A_231 : vector<16xi32>
      tpu.vector_store_idx %arg18[%add3A_232], %parallel_loop3A_167#19 : memref<10240xf32, #tpu.memory_space<vmem>>[vector<16xi32>], vector<16xf32>,
      %add3A_233 = arith.constant 19 : i32
      %add3A_234 = vector.broadcast %add3A_233 : i32 to vector<16xi32>
      %add3A_235 = arith.addi %add3A_175, %add3A_234 : vector<16xi32>
      tpu.vector_store_idx %arg18[%add3A_235], %parallel_loop3A_167#20 : memref<10240xf32, #tpu.memory_space<vmem>>[vector<16xi32>], vector<16xf32>,
      %lt3A = arith.constant 15 : i32
      %lt3A_236 = arith.cmpi slt, %add3A_72, %lt3A : i32
      %convert_element_type3A = arith.extui %lt3A_236 : i1 to i32
      %cond3A = arith.constant 0 : i32
      %cond3A_237 = arith.cmpi ne, %convert_element_type3A, %cond3A : i32
      scf.if %cond3A_237 {
        %add3A_336 = arith.constant 2 : i32
        %add3A_337 = arith.addi %mul3A_74, %add3A_336 : i32
        %mul3A_338 = arith.constant 16 : i32
        %mul3A_339 = arith.muli %add3A_337, %mul3A_338 : i32
        %dma_start3A_340 = tpu.memref_slice %arg8[%mul3A_339] : memref<512xi32, #tpu.memory_space<vmem>> -> memref<16xi32, #tpu.memory_space<vmem>>
        %dma_start3A_341 = arith.constant 0 : i32
        %dma_start3A_342 = arith.constant 0 : i32
        %dma_start3A_343 = tpu.memref_slice %arg2[%dma_start3A_341, %dma_start3A_342] : memref<1000000x128xf32, #tpu.memory_space<hbm>> -> memref<1000000x128xf32, #tpu.memory_space<hbm>>
        tpu.enqueue_indirect_dma source(%dma_start3A_343 : memref<1000000x128xf32, #tpu.memory_space<hbm>>) target(%arg11 : memref<16x128xf32, #tpu.memory_space<vmem>>) offsets(%dma_start3A_340 : memref<16xi32, #tpu.memory_space<vmem>>) semaphore(%arg19 : memref<!tpu.dma_semaphore, #tpu.memory_space<semaphore_mem>>)
        %mul3A_344 = arith.constant 16 : i32
        %mul3A_345 = arith.muli %add3A_337, %mul3A_344 : i32
        %dma_start3A_346 = tpu.memref_slice %arg9[%mul3A_345] : memref<512xi32, #tpu.memory_space<vmem>> -> memref<16xi32, #tpu.memory_space<vmem>>
        %dma_start3A_347 = arith.constant 0 : i32
        %dma_start3A_348 = arith.constant 0 : i32
        %dma_start3A_349 = tpu.memref_slice %arg2[%dma_start3A_347, %dma_start3A_348] : memref<1000000x128xf32, #tpu.memory_space<hbm>> -> memref<1000000x128xf32, #tpu.memory_space<hbm>>
        tpu.enqueue_indirect_dma source(%dma_start3A_349 : memref<1000000x128xf32, #tpu.memory_space<hbm>>) target(%arg12 : memref<16x128xf32, #tpu.memory_space<vmem>>) offsets(%dma_start3A_346 : memref<16xi32, #tpu.memory_space<vmem>>) semaphore(%arg19 : memref<!tpu.dma_semaphore, #tpu.memory_space<semaphore_mem>>)
        %mul3A_350 = arith.constant 320 : i32
        %mul3A_351 = arith.muli %add3A_337, %mul3A_350 : i32
        %add3A_352 = arith.constant 0 : i32
        %add3A_353 = arith.addi %mul3A_351, %add3A_352 : i32
        %dma_start3A_354 = arith.constant 0 : i32
        %dma_start3A_355 = arith.constant 0 : i32
        %dma_start3A_356 = tpu.memref_slice %arg13[%dma_start3A_354, %dma_start3A_355] : memref<320x128xf32, #tpu.memory_space<vmem>> -> memref<64x128xf32, #tpu.memory_space<vmem>>
        %dma_start3A_357 = tpu.memref_slice %arg10[%add3A_353] : memref<10240xi32, #tpu.memory_space<vmem>> -> memref<64xi32, #tpu.memory_space<vmem>>
        %dma_start3A_358 = arith.constant 0 : i32
        %dma_start3A_359 = arith.constant 0 : i32
        %dma_start3A_360 = tpu.memref_slice %arg2[%dma_start3A_358, %dma_start3A_359] : memref<1000000x128xf32, #tpu.memory_space<hbm>> -> memref<1000000x128xf32, #tpu.memory_space<hbm>>
        tpu.enqueue_indirect_dma source(%dma_start3A_360 : memref<1000000x128xf32, #tpu.memory_space<hbm>>) target(%dma_start3A_356 : memref<64x128xf32, #tpu.memory_space<vmem>>) offsets(%dma_start3A_357 : memref<64xi32, #tpu.memory_space<vmem>>) semaphore(%arg19 : memref<!tpu.dma_semaphore, #tpu.memory_space<semaphore_mem>>)
        %mul3A_361 = arith.constant 320 : i32
        %mul3A_362 = arith.muli %add3A_337, %mul3A_361 : i32
        %add3A_363 = arith.constant 64 : i32
        %add3A_364 = arith.addi %mul3A_362, %add3A_363 : i32
        %dma_start3A_365 = arith.constant 64 : i32
        %dma_start3A_366 = arith.constant 0 : i32
        %dma_start3A_367 = tpu.memref_slice %arg13[%dma_start3A_365, %dma_start3A_366] : memref<320x128xf32, #tpu.memory_space<vmem>> -> memref<64x128xf32, #tpu.memory_space<vmem>>
        %dma_start3A_368 = tpu.memref_slice %arg10[%add3A_364] : memref<10240xi32, #tpu.memory_space<vmem>> -> memref<64xi32, #tpu.memory_space<vmem>>
        %dma_start3A_369 = arith.constant 0 : i32
        %dma_start3A_370 = arith.constant 0 : i32
        %dma_start3A_371 = tpu.memref_slice %arg2[%dma_start3A_369, %dma_start3A_370] : memref<1000000x128xf32, #tpu.memory_space<hbm>> -> memref<1000000x128xf32, #tpu.memory_space<hbm>>
        tpu.enqueue_indirect_dma source(%dma_start3A_371 : memref<1000000x128xf32, #tpu.memory_space<hbm>>) target(%dma_start3A_367 : memref<64x128xf32, #tpu.memory_space<vmem>>) offsets(%dma_start3A_368 : memref<64xi32, #tpu.memory_space<vmem>>) semaphore(%arg19 : memref<!tpu.dma_semaphore, #tpu.memory_space<semaphore_mem>>)
        %mul3A_372 = arith.constant 320 : i32
        %mul3A_373 = arith.muli %add3A_337, %mul3A_372 : i32
        %add3A_374 = arith.constant 128 : i32
        %add3A_375 = arith.addi %mul3A_373, %add3A_374 : i32
        %dma_start3A_376 = arith.constant 128 : i32
        %dma_start3A_377 = arith.constant 0 : i32
        %dma_start3A_378 = tpu.memref_slice %arg13[%dma_start3A_376, %dma_start3A_377] : memref<320x128xf32, #tpu.memory_space<vmem>> -> memref<64x128xf32, #tpu.memory_space<vmem>>
        %dma_start3A_379 = tpu.memref_slice %arg10[%add3A_375] : memref<10240xi32, #tpu.memory_space<vmem>> -> memref<64xi32, #tpu.memory_space<vmem>>
        %dma_start3A_380 = arith.constant 0 : i32
        %dma_start3A_381 = arith.constant 0 : i32
        %dma_start3A_382 = tpu.memref_slice %arg2[%dma_start3A_380, %dma_start3A_381] : memref<1000000x128xf32, #tpu.memory_space<hbm>> -> memref<1000000x128xf32, #tpu.memory_space<hbm>>
        tpu.enqueue_indirect_dma source(%dma_start3A_382 : memref<1000000x128xf32, #tpu.memory_space<hbm>>) target(%dma_start3A_378 : memref<64x128xf32, #tpu.memory_space<vmem>>) offsets(%dma_start3A_379 : memref<64xi32, #tpu.memory_space<vmem>>) semaphore(%arg19 : memref<!tpu.dma_semaphore, #tpu.memory_space<semaphore_mem>>)
        %mul3A_383 = arith.constant 320 : i32
        %mul3A_384 = arith.muli %add3A_337, %mul3A_383 : i32
        %add3A_385 = arith.constant 192 : i32
        %add3A_386 = arith.addi %mul3A_384, %add3A_385 : i32
        %dma_start3A_387 = arith.constant 192 : i32
        %dma_start3A_388 = arith.constant 0 : i32
        %dma_start3A_389 = tpu.memref_slice %arg13[%dma_start3A_387, %dma_start3A_388] : memref<320x128xf32, #tpu.memory_space<vmem>> -> memref<64x128xf32, #tpu.memory_space<vmem>>
        %dma_start3A_390 = tpu.memref_slice %arg10[%add3A_386] : memref<10240xi32, #tpu.memory_space<vmem>> -> memref<64xi32, #tpu.memory_space<vmem>>
        %dma_start3A_391 = arith.constant 0 : i32
        %dma_start3A_392 = arith.constant 0 : i32
        %dma_start3A_393 = tpu.memref_slice %arg2[%dma_start3A_391, %dma_start3A_392] : memref<1000000x128xf32, #tpu.memory_space<hbm>> -> memref<1000000x128xf32, #tpu.memory_space<hbm>>
        tpu.enqueue_indirect_dma source(%dma_start3A_393 : memref<1000000x128xf32, #tpu.memory_space<hbm>>) target(%dma_start3A_389 : memref<64x128xf32, #tpu.memory_space<vmem>>) offsets(%dma_start3A_390 : memref<64xi32, #tpu.memory_space<vmem>>) semaphore(%arg19 : memref<!tpu.dma_semaphore, #tpu.memory_space<semaphore_mem>>)
        %mul3A_394 = arith.constant 320 : i32
        %mul3A_395 = arith.muli %add3A_337, %mul3A_394 : i32
        %add3A_396 = arith.constant 256 : i32
        %add3A_397 = arith.addi %mul3A_395, %add3A_396 : i32
        %dma_start3A_398 = arith.constant 256 : i32
        %dma_start3A_399 = arith.constant 0 : i32
        %dma_start3A_400 = tpu.memref_slice %arg13[%dma_start3A_398, %dma_start3A_399] : memref<320x128xf32, #tpu.memory_space<vmem>> -> memref<64x128xf32, #tpu.memory_space<vmem>>
        %dma_start3A_401 = tpu.memref_slice %arg10[%add3A_397] : memref<10240xi32, #tpu.memory_space<vmem>> -> memref<64xi32, #tpu.memory_space<vmem>>
        %dma_start3A_402 = arith.constant 0 : i32
        %dma_start3A_403 = arith.constant 0 : i32
        %dma_start3A_404 = tpu.memref_slice %arg2[%dma_start3A_402, %dma_start3A_403] : memref<1000000x128xf32, #tpu.memory_space<hbm>> -> memref<1000000x128xf32, #tpu.memory_space<hbm>>
        tpu.enqueue_indirect_dma source(%dma_start3A_404 : memref<1000000x128xf32, #tpu.memory_space<hbm>>) target(%dma_start3A_400 : memref<64x128xf32, #tpu.memory_space<vmem>>) offsets(%dma_start3A_401 : memref<64xi32, #tpu.memory_space<vmem>>) semaphore(%arg19 : memref<!tpu.dma_semaphore, #tpu.memory_space<semaphore_mem>>)
      } else {
      }
      %dma_wait3A_238 = arith.constant 0 : i32
      %dma_wait3A_239 = arith.constant 0 : i32
      %dma_wait3A_240 = tpu.memref_slice %arg2[%dma_wait3A_238, %dma_wait3A_239] : memref<1000000x128xf32, #tpu.memory_space<hbm>> -> memref<16x128xf32, #tpu.memory_space<hbm>>
      %dma_wait3A_241 = arith.constant 0 : i32
      %dma_wait3A_242 = arith.constant 0 : i32
      %dma_wait3A_243 = tpu.memref_slice %arg2[%dma_wait3A_241, %dma_wait3A_242] : memref<1000000x128xf32, #tpu.memory_space<hbm>> -> memref<16x128xf32, #tpu.memory_space<hbm>>
      tpu.wait_dma2 semaphore(%arg20 : memref<!tpu.dma_semaphore, #tpu.memory_space<semaphore_mem>>) src(%dma_wait3A_243 : memref<16x128xf32, #tpu.memory_space<hbm>>) dst(%arg14 : memref<16x128xf32, #tpu.memory_space<vmem>>)
      %dma_wait3A_244 = arith.constant 0 : i32
      %dma_wait3A_245 = arith.constant 0 : i32
      %dma_wait3A_246 = tpu.memref_slice %arg2[%dma_wait3A_244, %dma_wait3A_245] : memref<1000000x128xf32, #tpu.memory_space<hbm>> -> memref<16x128xf32, #tpu.memory_space<hbm>>
      %dma_wait3A_247 = arith.constant 0 : i32
      %dma_wait3A_248 = arith.constant 0 : i32
      %dma_wait3A_249 = tpu.memref_slice %arg2[%dma_wait3A_247, %dma_wait3A_248] : memref<1000000x128xf32, #tpu.memory_space<hbm>> -> memref<16x128xf32, #tpu.memory_space<hbm>>
      tpu.wait_dma2 semaphore(%arg20 : memref<!tpu.dma_semaphore, #tpu.memory_space<semaphore_mem>>) src(%dma_wait3A_249 : memref<16x128xf32, #tpu.memory_space<hbm>>) dst(%arg15 : memref<16x128xf32, #tpu.memory_space<vmem>>)
      %dma_wait3A_250 = arith.constant 0 : i32
      %dma_wait3A_251 = arith.constant 0 : i32
      %dma_wait3A_252 = tpu.memref_slice %arg2[%dma_wait3A_250, %dma_wait3A_251] : memref<1000000x128xf32, #tpu.memory_space<hbm>> -> memref<320x128xf32, #tpu.memory_space<hbm>>
      %dma_wait3A_253 = arith.constant 0 : i32
      %dma_wait3A_254 = arith.constant 0 : i32
      %dma_wait3A_255 = tpu.memref_slice %arg2[%dma_wait3A_253, %dma_wait3A_254] : memref<1000000x128xf32, #tpu.memory_space<hbm>> -> memref<320x128xf32, #tpu.memory_space<hbm>>
      tpu.wait_dma2 semaphore(%arg20 : memref<!tpu.dma_semaphore, #tpu.memory_space<semaphore_mem>>) src(%dma_wait3A_255 : memref<320x128xf32, #tpu.memory_space<hbm>>) dst(%arg16 : memref<320x128xf32, #tpu.memory_space<vmem>>)
      %add3A_256 = arith.constant 1 : i32
      %add3A_257 = arith.addi %mul3A_74, %add3A_256 : i32
      %iota3A_258 = tpu.iota {dimensions = array<i32: 0>} : vector<16xi32>
      %mul3A_259 = arith.constant 20 : i32
      %mul3A_260 = vector.broadcast %mul3A_259 : i32 to vector<16xi32>
      %mul3A_261 = arith.muli %iota3A_258, %mul3A_260 : vector<16xi32>
      %broadcast_in_dim3A_262 = arith.constant 0.000000e+00 : f32
      %broadcast_in_dim3A_263 = vector.broadcast %broadcast_in_dim3A_262 : f32 to vector<16xf32>
      %parallel_loop3A_264 = arith.constant 0 : i32
      %parallel_loop3A_265 = arith.constant 64 : i32
      %parallel_loop3A_266 = arith.constant 1 : i32
      %parallel_loop3A_267:21 = scf.for %parallel_loop3A_336 = %parallel_loop3A_264 to %parallel_loop3A_265 step %parallel_loop3A_266 iter_args(%parallel_loop3A_337 = %broadcast_in_dim3A_263, %parallel_loop3A_338 = %broadcast_in_dim3A_263, %parallel_loop3A_339 = %broadcast_in_dim3A_263, %parallel_loop3A_340 = %broadcast_in_dim3A_263, %parallel_loop3A_341 = %broadcast_in_dim3A_263, %parallel_loop3A_342 = %broadcast_in_dim3A_263, %parallel_loop3A_343 = %broadcast_in_dim3A_263, %parallel_loop3A_344 = %broadcast_in_dim3A_263, %parallel_loop3A_345 = %broadcast_in_dim3A_263, %parallel_loop3A_346 = %broadcast_in_dim3A_263, %parallel_loop3A_347 = %broadcast_in_dim3A_263, %parallel_loop3A_348 = %broadcast_in_dim3A_263, %parallel_loop3A_349 = %broadcast_in_dim3A_263, %parallel_loop3A_350 = %broadcast_in_dim3A_263, %parallel_loop3A_351 = %broadcast_in_dim3A_263, %parallel_loop3A_352 = %broadcast_in_dim3A_263, %parallel_loop3A_353 = %broadcast_in_dim3A_263, %parallel_loop3A_354 = %broadcast_in_dim3A_263, %parallel_loop3A_355 = %broadcast_in_dim3A_263, %parallel_loop3A_356 = %broadcast_in_dim3A_263, %parallel_loop3A_357 = %broadcast_in_dim3A_263) -> (vector<16xf32>, vector<16xf32>, vector<16xf32>, vector<16xf32>, vector<16xf32>, vector<16xf32>, vector<16xf32>, vector<16xf32>, vector<16xf32>, vector<16xf32>, vector<16xf32>, vector<16xf32>, vector<16xf32>, vector<16xf32>, vector<16xf32>, vector<16xf32>, vector<16xf32>, vector<16xf32>, vector<16xf32>, vector<16xf32>, vector<16xf32>)  : i32 {
        %parallel_loop3A_358 = vector.broadcast %parallel_loop3A_336 : i32 to vector<16xi32>
        %parallel_loop3A_359 = arith.constant 64 : i32
        %parallel_loop3A_360 = vector.broadcast %parallel_loop3A_359 : i32 to vector<16xi32>
        %parallel_loop3A_361 = arith.addi %parallel_loop3A_358, %parallel_loop3A_360 : vector<16xi32>
        %parallel_loop3A_362 = tpu.vector_load_idx %arg14[%iota3A_258, %parallel_loop3A_358] : memref<16x128xf32, #tpu.memory_space<vmem>>[vector<16xi32>, vector<16xi32>], vector<16xf32>,
        %parallel_loop3A_363 = tpu.vector_load_idx %arg15[%iota3A_258, %parallel_loop3A_361] : memref<16x128xf32, #tpu.memory_space<vmem>>[vector<16xi32>, vector<16xi32>], vector<16xf32>,
        %parallel_loop3A_364 = arith.mulf %parallel_loop3A_362, %parallel_loop3A_363 : vector<16xf32>
        %parallel_loop3A_365 = arith.addf %parallel_loop3A_337, %parallel_loop3A_364 : vector<16xf32>
        %parallel_loop3A_366 = arith.constant 0 : i32
        %parallel_loop3A_367 = vector.broadcast %parallel_loop3A_366 : i32 to vector<16xi32>
        %parallel_loop3A_368 = arith.addi %mul3A_261, %parallel_loop3A_367 : vector<16xi32>
        %parallel_loop3A_369 = tpu.vector_load_idx %arg16[%parallel_loop3A_368, %parallel_loop3A_361] : memref<320x128xf32, #tpu.memory_space<vmem>>[vector<16xi32>, vector<16xi32>], vector<16xf32>,
        %parallel_loop3A_370 = arith.mulf %parallel_loop3A_362, %parallel_loop3A_369 : vector<16xf32>
        %parallel_loop3A_371 = arith.addf %parallel_loop3A_338, %parallel_loop3A_370 : vector<16xf32>
        %parallel_loop3A_372 = arith.constant 1 : i32
        %parallel_loop3A_373 = vector.broadcast %parallel_loop3A_372 : i32 to vector<16xi32>
        %parallel_loop3A_374 = arith.addi %mul3A_261, %parallel_loop3A_373 : vector<16xi32>
        %parallel_loop3A_375 = tpu.vector_load_idx %arg16[%parallel_loop3A_374, %parallel_loop3A_361] : memref<320x128xf32, #tpu.memory_space<vmem>>[vector<16xi32>, vector<16xi32>], vector<16xf32>,
        %parallel_loop3A_376 = arith.mulf %parallel_loop3A_362, %parallel_loop3A_375 : vector<16xf32>
        %parallel_loop3A_377 = arith.addf %parallel_loop3A_339, %parallel_loop3A_376 : vector<16xf32>
        %parallel_loop3A_378 = arith.constant 2 : i32
        %parallel_loop3A_379 = vector.broadcast %parallel_loop3A_378 : i32 to vector<16xi32>
        %parallel_loop3A_380 = arith.addi %mul3A_261, %parallel_loop3A_379 : vector<16xi32>
        %parallel_loop3A_381 = tpu.vector_load_idx %arg16[%parallel_loop3A_380, %parallel_loop3A_361] : memref<320x128xf32, #tpu.memory_space<vmem>>[vector<16xi32>, vector<16xi32>], vector<16xf32>,
        %parallel_loop3A_382 = arith.mulf %parallel_loop3A_362, %parallel_loop3A_381 : vector<16xf32>
        %parallel_loop3A_383 = arith.addf %parallel_loop3A_340, %parallel_loop3A_382 : vector<16xf32>
        %parallel_loop3A_384 = arith.constant 3 : i32
        %parallel_loop3A_385 = vector.broadcast %parallel_loop3A_384 : i32 to vector<16xi32>
        %parallel_loop3A_386 = arith.addi %mul3A_261, %parallel_loop3A_385 : vector<16xi32>
        %parallel_loop3A_387 = tpu.vector_load_idx %arg16[%parallel_loop3A_386, %parallel_loop3A_361] : memref<320x128xf32, #tpu.memory_space<vmem>>[vector<16xi32>, vector<16xi32>], vector<16xf32>,
        %parallel_loop3A_388 = arith.mulf %parallel_loop3A_362, %parallel_loop3A_387 : vector<16xf32>
        %parallel_loop3A_389 = arith.addf %parallel_loop3A_341, %parallel_loop3A_388 : vector<16xf32>
        %parallel_loop3A_390 = arith.constant 4 : i32
        %parallel_loop3A_391 = vector.broadcast %parallel_loop3A_390 : i32 to vector<16xi32>
        %parallel_loop3A_392 = arith.addi %mul3A_261, %parallel_loop3A_391 : vector<16xi32>
        %parallel_loop3A_393 = tpu.vector_load_idx %arg16[%parallel_loop3A_392, %parallel_loop3A_361] : memref<320x128xf32, #tpu.memory_space<vmem>>[vector<16xi32>, vector<16xi32>], vector<16xf32>,
        %parallel_loop3A_394 = arith.mulf %parallel_loop3A_362, %parallel_loop3A_393 : vector<16xf32>
        %parallel_loop3A_395 = arith.addf %parallel_loop3A_342, %parallel_loop3A_394 : vector<16xf32>
        %parallel_loop3A_396 = arith.constant 5 : i32
        %parallel_loop3A_397 = vector.broadcast %parallel_loop3A_396 : i32 to vector<16xi32>
        %parallel_loop3A_398 = arith.addi %mul3A_261, %parallel_loop3A_397 : vector<16xi32>
        %parallel_loop3A_399 = tpu.vector_load_idx %arg16[%parallel_loop3A_398, %parallel_loop3A_361] : memref<320x128xf32, #tpu.memory_space<vmem>>[vector<16xi32>, vector<16xi32>], vector<16xf32>,
        %parallel_loop3A_400 = arith.mulf %parallel_loop3A_362, %parallel_loop3A_399 : vector<16xf32>
        %parallel_loop3A_401 = arith.addf %parallel_loop3A_343, %parallel_loop3A_400 : vector<16xf32>
        %parallel_loop3A_402 = arith.constant 6 : i32
        %parallel_loop3A_403 = vector.broadcast %parallel_loop3A_402 : i32 to vector<16xi32>
        %parallel_loop3A_404 = arith.addi %mul3A_261, %parallel_loop3A_403 : vector<16xi32>
        %parallel_loop3A_405 = tpu.vector_load_idx %arg16[%parallel_loop3A_404, %parallel_loop3A_361] : memref<320x128xf32, #tpu.memory_space<vmem>>[vector<16xi32>, vector<16xi32>], vector<16xf32>,
        %parallel_loop3A_406 = arith.mulf %parallel_loop3A_362, %parallel_loop3A_405 : vector<16xf32>
        %parallel_loop3A_407 = arith.addf %parallel_loop3A_344, %parallel_loop3A_406 : vector<16xf32>
        %parallel_loop3A_408 = arith.constant 7 : i32
        %parallel_loop3A_409 = vector.broadcast %parallel_loop3A_408 : i32 to vector<16xi32>
        %parallel_loop3A_410 = arith.addi %mul3A_261, %parallel_loop3A_409 : vector<16xi32>
        %parallel_loop3A_411 = tpu.vector_load_idx %arg16[%parallel_loop3A_410, %parallel_loop3A_361] : memref<320x128xf32, #tpu.memory_space<vmem>>[vector<16xi32>, vector<16xi32>], vector<16xf32>,
        %parallel_loop3A_412 = arith.mulf %parallel_loop3A_362, %parallel_loop3A_411 : vector<16xf32>
        %parallel_loop3A_413 = arith.addf %parallel_loop3A_345, %parallel_loop3A_412 : vector<16xf32>
        %parallel_loop3A_414 = arith.constant 8 : i32
        %parallel_loop3A_415 = vector.broadcast %parallel_loop3A_414 : i32 to vector<16xi32>
        %parallel_loop3A_416 = arith.addi %mul3A_261, %parallel_loop3A_415 : vector<16xi32>
        %parallel_loop3A_417 = tpu.vector_load_idx %arg16[%parallel_loop3A_416, %parallel_loop3A_361] : memref<320x128xf32, #tpu.memory_space<vmem>>[vector<16xi32>, vector<16xi32>], vector<16xf32>,
        %parallel_loop3A_418 = arith.mulf %parallel_loop3A_362, %parallel_loop3A_417 : vector<16xf32>
        %parallel_loop3A_419 = arith.addf %parallel_loop3A_346, %parallel_loop3A_418 : vector<16xf32>
        %parallel_loop3A_420 = arith.constant 9 : i32
        %parallel_loop3A_421 = vector.broadcast %parallel_loop3A_420 : i32 to vector<16xi32>
        %parallel_loop3A_422 = arith.addi %mul3A_261, %parallel_loop3A_421 : vector<16xi32>
        %parallel_loop3A_423 = tpu.vector_load_idx %arg16[%parallel_loop3A_422, %parallel_loop3A_361] : memref<320x128xf32, #tpu.memory_space<vmem>>[vector<16xi32>, vector<16xi32>], vector<16xf32>,
        %parallel_loop3A_424 = arith.mulf %parallel_loop3A_362, %parallel_loop3A_423 : vector<16xf32>
        %parallel_loop3A_425 = arith.addf %parallel_loop3A_347, %parallel_loop3A_424 : vector<16xf32>
        %parallel_loop3A_426 = arith.constant 10 : i32
        %parallel_loop3A_427 = vector.broadcast %parallel_loop3A_426 : i32 to vector<16xi32>
        %parallel_loop3A_428 = arith.addi %mul3A_261, %parallel_loop3A_427 : vector<16xi32>
        %parallel_loop3A_429 = tpu.vector_load_idx %arg16[%parallel_loop3A_428, %parallel_loop3A_361] : memref<320x128xf32, #tpu.memory_space<vmem>>[vector<16xi32>, vector<16xi32>], vector<16xf32>,
        %parallel_loop3A_430 = arith.mulf %parallel_loop3A_362, %parallel_loop3A_429 : vector<16xf32>
        %parallel_loop3A_431 = arith.addf %parallel_loop3A_348, %parallel_loop3A_430 : vector<16xf32>
        %parallel_loop3A_432 = arith.constant 11 : i32
        %parallel_loop3A_433 = vector.broadcast %parallel_loop3A_432 : i32 to vector<16xi32>
        %parallel_loop3A_434 = arith.addi %mul3A_261, %parallel_loop3A_433 : vector<16xi32>
        %parallel_loop3A_435 = tpu.vector_load_idx %arg16[%parallel_loop3A_434, %parallel_loop3A_361] : memref<320x128xf32, #tpu.memory_space<vmem>>[vector<16xi32>, vector<16xi32>], vector<16xf32>,
        %parallel_loop3A_436 = arith.mulf %parallel_loop3A_362, %parallel_loop3A_435 : vector<16xf32>
        %parallel_loop3A_437 = arith.addf %parallel_loop3A_349, %parallel_loop3A_436 : vector<16xf32>
        %parallel_loop3A_438 = arith.constant 12 : i32
        %parallel_loop3A_439 = vector.broadcast %parallel_loop3A_438 : i32 to vector<16xi32>
        %parallel_loop3A_440 = arith.addi %mul3A_261, %parallel_loop3A_439 : vector<16xi32>
        %parallel_loop3A_441 = tpu.vector_load_idx %arg16[%parallel_loop3A_440, %parallel_loop3A_361] : memref<320x128xf32, #tpu.memory_space<vmem>>[vector<16xi32>, vector<16xi32>], vector<16xf32>,
        %parallel_loop3A_442 = arith.mulf %parallel_loop3A_362, %parallel_loop3A_441 : vector<16xf32>
        %parallel_loop3A_443 = arith.addf %parallel_loop3A_350, %parallel_loop3A_442 : vector<16xf32>
        %parallel_loop3A_444 = arith.constant 13 : i32
        %parallel_loop3A_445 = vector.broadcast %parallel_loop3A_444 : i32 to vector<16xi32>
        %parallel_loop3A_446 = arith.addi %mul3A_261, %parallel_loop3A_445 : vector<16xi32>
        %parallel_loop3A_447 = tpu.vector_load_idx %arg16[%parallel_loop3A_446, %parallel_loop3A_361] : memref<320x128xf32, #tpu.memory_space<vmem>>[vector<16xi32>, vector<16xi32>], vector<16xf32>,
        %parallel_loop3A_448 = arith.mulf %parallel_loop3A_362, %parallel_loop3A_447 : vector<16xf32>
        %parallel_loop3A_449 = arith.addf %parallel_loop3A_351, %parallel_loop3A_448 : vector<16xf32>
        %parallel_loop3A_450 = arith.constant 14 : i32
        %parallel_loop3A_451 = vector.broadcast %parallel_loop3A_450 : i32 to vector<16xi32>
        %parallel_loop3A_452 = arith.addi %mul3A_261, %parallel_loop3A_451 : vector<16xi32>
        %parallel_loop3A_453 = tpu.vector_load_idx %arg16[%parallel_loop3A_452, %parallel_loop3A_361] : memref<320x128xf32, #tpu.memory_space<vmem>>[vector<16xi32>, vector<16xi32>], vector<16xf32>,
        %parallel_loop3A_454 = arith.mulf %parallel_loop3A_362, %parallel_loop3A_453 : vector<16xf32>
        %parallel_loop3A_455 = arith.addf %parallel_loop3A_352, %parallel_loop3A_454 : vector<16xf32>
        %parallel_loop3A_456 = arith.constant 15 : i32
        %parallel_loop3A_457 = vector.broadcast %parallel_loop3A_456 : i32 to vector<16xi32>
        %parallel_loop3A_458 = arith.addi %mul3A_261, %parallel_loop3A_457 : vector<16xi32>
        %parallel_loop3A_459 = tpu.vector_load_idx %arg16[%parallel_loop3A_458, %parallel_loop3A_361] : memref<320x128xf32, #tpu.memory_space<vmem>>[vector<16xi32>, vector<16xi32>], vector<16xf32>,
        %parallel_loop3A_460 = arith.mulf %parallel_loop3A_362, %parallel_loop3A_459 : vector<16xf32>
        %parallel_loop3A_461 = arith.addf %parallel_loop3A_353, %parallel_loop3A_460 : vector<16xf32>
        %parallel_loop3A_462 = arith.constant 16 : i32
        %parallel_loop3A_463 = vector.broadcast %parallel_loop3A_462 : i32 to vector<16xi32>
        %parallel_loop3A_464 = arith.addi %mul3A_261, %parallel_loop3A_463 : vector<16xi32>
        %parallel_loop3A_465 = tpu.vector_load_idx %arg16[%parallel_loop3A_464, %parallel_loop3A_361] : memref<320x128xf32, #tpu.memory_space<vmem>>[vector<16xi32>, vector<16xi32>], vector<16xf32>,
        %parallel_loop3A_466 = arith.mulf %parallel_loop3A_362, %parallel_loop3A_465 : vector<16xf32>
        %parallel_loop3A_467 = arith.addf %parallel_loop3A_354, %parallel_loop3A_466 : vector<16xf32>
        %parallel_loop3A_468 = arith.constant 17 : i32
        %parallel_loop3A_469 = vector.broadcast %parallel_loop3A_468 : i32 to vector<16xi32>
        %parallel_loop3A_470 = arith.addi %mul3A_261, %parallel_loop3A_469 : vector<16xi32>
        %parallel_loop3A_471 = tpu.vector_load_idx %arg16[%parallel_loop3A_470, %parallel_loop3A_361] : memref<320x128xf32, #tpu.memory_space<vmem>>[vector<16xi32>, vector<16xi32>], vector<16xf32>,
        %parallel_loop3A_472 = arith.mulf %parallel_loop3A_362, %parallel_loop3A_471 : vector<16xf32>
        %parallel_loop3A_473 = arith.addf %parallel_loop3A_355, %parallel_loop3A_472 : vector<16xf32>
        %parallel_loop3A_474 = arith.constant 18 : i32
        %parallel_loop3A_475 = vector.broadcast %parallel_loop3A_474 : i32 to vector<16xi32>
        %parallel_loop3A_476 = arith.addi %mul3A_261, %parallel_loop3A_475 : vector<16xi32>
        %parallel_loop3A_477 = tpu.vector_load_idx %arg16[%parallel_loop3A_476, %parallel_loop3A_361] : memref<320x128xf32, #tpu.memory_space<vmem>>[vector<16xi32>, vector<16xi32>], vector<16xf32>,
        %parallel_loop3A_478 = arith.mulf %parallel_loop3A_362, %parallel_loop3A_477 : vector<16xf32>
        %parallel_loop3A_479 = arith.addf %parallel_loop3A_356, %parallel_loop3A_478 : vector<16xf32>
        %parallel_loop3A_480 = arith.constant 19 : i32
        %parallel_loop3A_481 = vector.broadcast %parallel_loop3A_480 : i32 to vector<16xi32>
        %parallel_loop3A_482 = arith.addi %mul3A_261, %parallel_loop3A_481 : vector<16xi32>
        %parallel_loop3A_483 = tpu.vector_load_idx %arg16[%parallel_loop3A_482, %parallel_loop3A_361] : memref<320x128xf32, #tpu.memory_space<vmem>>[vector<16xi32>, vector<16xi32>], vector<16xf32>,
        %parallel_loop3A_484 = arith.mulf %parallel_loop3A_362, %parallel_loop3A_483 : vector<16xf32>
        %parallel_loop3A_485 = arith.addf %parallel_loop3A_357, %parallel_loop3A_484 : vector<16xf32>
        scf.yield %parallel_loop3A_365, %parallel_loop3A_371, %parallel_loop3A_377, %parallel_loop3A_383, %parallel_loop3A_389, %parallel_loop3A_395, %parallel_loop3A_401, %parallel_loop3A_407, %parallel_loop3A_413, %parallel_loop3A_419, %parallel_loop3A_425, %parallel_loop3A_431, %parallel_loop3A_437, %parallel_loop3A_443, %parallel_loop3A_449, %parallel_loop3A_455, %parallel_loop3A_461, %parallel_loop3A_467, %parallel_loop3A_473, %parallel_loop3A_479, %parallel_loop3A_485 : vector<16xf32>, vector<16xf32>, vector<16xf32>, vector<16xf32>, vector<16xf32>, vector<16xf32>, vector<16xf32>, vector<16xf32>, vector<16xf32>, vector<16xf32>, vector<16xf32>, vector<16xf32>, vector<16xf32>, vector<16xf32>, vector<16xf32>, vector<16xf32>, vector<16xf32>, vector<16xf32>, vector<16xf32>, vector<16xf32>, vector<16xf32>
      } {sc.loop_unroll_factor = 2 : i64, sc.parallel_access}
      %mul3A_268 = arith.constant 16 : i32
      %mul3A_269 = arith.muli %add3A_257, %mul3A_268 : i32
      %add3A_270 = vector.broadcast %mul3A_269 : i32 to vector<16xi32>
      %add3A_271 = arith.addi %add3A_270, %iota3A_258 : vector<16xi32>
      tpu.vector_store_idx %arg17[%add3A_271], %parallel_loop3A_267#0 : memref<512xf32, #tpu.memory_space<vmem>>[vector<16xi32>], vector<16xf32>,
      %mul3A_272 = arith.constant 20 : i32
      %mul3A_273 = arith.muli %mul3A_269, %mul3A_272 : i32
      %add3A_274 = vector.broadcast %mul3A_273 : i32 to vector<16xi32>
      %add3A_275 = arith.addi %add3A_274, %mul3A_261 : vector<16xi32>
      %add3A_276 = arith.constant 0 : i32
      %add3A_277 = vector.broadcast %add3A_276 : i32 to vector<16xi32>
      %add3A_278 = arith.addi %add3A_275, %add3A_277 : vector<16xi32>
      tpu.vector_store_idx %arg18[%add3A_278], %parallel_loop3A_267#1 : memref<10240xf32, #tpu.memory_space<vmem>>[vector<16xi32>], vector<16xf32>,
      %add3A_279 = arith.constant 1 : i32
      %add3A_280 = vector.broadcast %add3A_279 : i32 to vector<16xi32>
      %add3A_281 = arith.addi %add3A_275, %add3A_280 : vector<16xi32>
      tpu.vector_store_idx %arg18[%add3A_281], %parallel_loop3A_267#2 : memref<10240xf32, #tpu.memory_space<vmem>>[vector<16xi32>], vector<16xf32>,
      %add3A_282 = arith.constant 2 : i32
      %add3A_283 = vector.broadcast %add3A_282 : i32 to vector<16xi32>
      %add3A_284 = arith.addi %add3A_275, %add3A_283 : vector<16xi32>
      tpu.vector_store_idx %arg18[%add3A_284], %parallel_loop3A_267#3 : memref<10240xf32, #tpu.memory_space<vmem>>[vector<16xi32>], vector<16xf32>,
      %add3A_285 = arith.constant 3 : i32
      %add3A_286 = vector.broadcast %add3A_285 : i32 to vector<16xi32>
      %add3A_287 = arith.addi %add3A_275, %add3A_286 : vector<16xi32>
      tpu.vector_store_idx %arg18[%add3A_287], %parallel_loop3A_267#4 : memref<10240xf32, #tpu.memory_space<vmem>>[vector<16xi32>], vector<16xf32>,
      %add3A_288 = arith.constant 4 : i32
      %add3A_289 = vector.broadcast %add3A_288 : i32 to vector<16xi32>
      %add3A_290 = arith.addi %add3A_275, %add3A_289 : vector<16xi32>
      tpu.vector_store_idx %arg18[%add3A_290], %parallel_loop3A_267#5 : memref<10240xf32, #tpu.memory_space<vmem>>[vector<16xi32>], vector<16xf32>,
      %add3A_291 = arith.constant 5 : i32
      %add3A_292 = vector.broadcast %add3A_291 : i32 to vector<16xi32>
      %add3A_293 = arith.addi %add3A_275, %add3A_292 : vector<16xi32>
      tpu.vector_store_idx %arg18[%add3A_293], %parallel_loop3A_267#6 : memref<10240xf32, #tpu.memory_space<vmem>>[vector<16xi32>], vector<16xf32>,
      %add3A_294 = arith.constant 6 : i32
      %add3A_295 = vector.broadcast %add3A_294 : i32 to vector<16xi32>
      %add3A_296 = arith.addi %add3A_275, %add3A_295 : vector<16xi32>
      tpu.vector_store_idx %arg18[%add3A_296], %parallel_loop3A_267#7 : memref<10240xf32, #tpu.memory_space<vmem>>[vector<16xi32>], vector<16xf32>,
      %add3A_297 = arith.constant 7 : i32
      %add3A_298 = vector.broadcast %add3A_297 : i32 to vector<16xi32>
      %add3A_299 = arith.addi %add3A_275, %add3A_298 : vector<16xi32>
      tpu.vector_store_idx %arg18[%add3A_299], %parallel_loop3A_267#8 : memref<10240xf32, #tpu.memory_space<vmem>>[vector<16xi32>], vector<16xf32>,
      %add3A_300 = arith.constant 8 : i32
      %add3A_301 = vector.broadcast %add3A_300 : i32 to vector<16xi32>
      %add3A_302 = arith.addi %add3A_275, %add3A_301 : vector<16xi32>
      tpu.vector_store_idx %arg18[%add3A_302], %parallel_loop3A_267#9 : memref<10240xf32, #tpu.memory_space<vmem>>[vector<16xi32>], vector<16xf32>,
      %add3A_303 = arith.constant 9 : i32
      %add3A_304 = vector.broadcast %add3A_303 : i32 to vector<16xi32>
      %add3A_305 = arith.addi %add3A_275, %add3A_304 : vector<16xi32>
      tpu.vector_store_idx %arg18[%add3A_305], %parallel_loop3A_267#10 : memref<10240xf32, #tpu.memory_space<vmem>>[vector<16xi32>], vector<16xf32>,
      %add3A_306 = arith.constant 10 : i32
      %add3A_307 = vector.broadcast %add3A_306 : i32 to vector<16xi32>
      %add3A_308 = arith.addi %add3A_275, %add3A_307 : vector<16xi32>
      tpu.vector_store_idx %arg18[%add3A_308], %parallel_loop3A_267#11 : memref<10240xf32, #tpu.memory_space<vmem>>[vector<16xi32>], vector<16xf32>,
      %add3A_309 = arith.constant 11 : i32
      %add3A_310 = vector.broadcast %add3A_309 : i32 to vector<16xi32>
      %add3A_311 = arith.addi %add3A_275, %add3A_310 : vector<16xi32>
      tpu.vector_store_idx %arg18[%add3A_311], %parallel_loop3A_267#12 : memref<10240xf32, #tpu.memory_space<vmem>>[vector<16xi32>], vector<16xf32>,
      %add3A_312 = arith.constant 12 : i32
      %add3A_313 = vector.broadcast %add3A_312 : i32 to vector<16xi32>
      %add3A_314 = arith.addi %add3A_275, %add3A_313 : vector<16xi32>
      tpu.vector_store_idx %arg18[%add3A_314], %parallel_loop3A_267#13 : memref<10240xf32, #tpu.memory_space<vmem>>[vector<16xi32>], vector<16xf32>,
      %add3A_315 = arith.constant 13 : i32
      %add3A_316 = vector.broadcast %add3A_315 : i32 to vector<16xi32>
      %add3A_317 = arith.addi %add3A_275, %add3A_316 : vector<16xi32>
      tpu.vector_store_idx %arg18[%add3A_317], %parallel_loop3A_267#14 : memref<10240xf32, #tpu.memory_space<vmem>>[vector<16xi32>], vector<16xf32>,
      %add3A_318 = arith.constant 14 : i32
      %add3A_319 = vector.broadcast %add3A_318 : i32 to vector<16xi32>
      %add3A_320 = arith.addi %add3A_275, %add3A_319 : vector<16xi32>
      tpu.vector_store_idx %arg18[%add3A_320], %parallel_loop3A_267#15 : memref<10240xf32, #tpu.memory_space<vmem>>[vector<16xi32>], vector<16xf32>,
      %add3A_321 = arith.constant 15 : i32
      %add3A_322 = vector.broadcast %add3A_321 : i32 to vector<16xi32>
      %add3A_323 = arith.addi %add3A_275, %add3A_322 : vector<16xi32>
      tpu.vector_store_idx %arg18[%add3A_323], %parallel_loop3A_267#16 : memref<10240xf32, #tpu.memory_space<vmem>>[vector<16xi32>], vector<16xf32>,
      %add3A_324 = arith.constant 16 : i32
      %add3A_325 = vector.broadcast %add3A_324 : i32 to vector<16xi32>
      %add3A_326 = arith.addi %add3A_275, %add3A_325 : vector<16xi32>
      tpu.vector_store_idx %arg18[%add3A_326], %parallel_loop3A_267#17 : memref<10240xf32, #tpu.memory_space<vmem>>[vector<16xi32>], vector<16xf32>,
      %add3A_327 = arith.constant 17 : i32
      %add3A_328 = vector.broadcast %add3A_327 : i32 to vector<16xi32>
      %add3A_329 = arith.addi %add3A_275, %add3A_328 : vector<16xi32>
      tpu.vector_store_idx %arg18[%add3A_329], %parallel_loop3A_267#18 : memref<10240xf32, #tpu.memory_space<vmem>>[vector<16xi32>], vector<16xf32>,
      %add3A_330 = arith.constant 18 : i32
      %add3A_331 = vector.broadcast %add3A_330 : i32 to vector<16xi32>
      %add3A_332 = arith.addi %add3A_275, %add3A_331 : vector<16xi32>
      tpu.vector_store_idx %arg18[%add3A_332], %parallel_loop3A_267#19 : memref<10240xf32, #tpu.memory_space<vmem>>[vector<16xi32>], vector<16xf32>,
      %add3A_333 = arith.constant 19 : i32
      %add3A_334 = vector.broadcast %add3A_333 : i32 to vector<16xi32>
      %add3A_335 = arith.addi %add3A_275, %add3A_334 : vector<16xi32>
      tpu.vector_store_idx %arg18[%add3A_335], %parallel_loop3A_267#20 : memref<10240xf32, #tpu.memory_space<vmem>>[vector<16xi32>], vector<16xf32>,
    }
    %scan3A_61 = arith.constant 16 : i32
    %mul3A_62 = arith.constant 512 : i32
    %mul3A_63 = arith.muli %add3A, %mul3A_62 : i32
    "tpu.region"() ({
      %run_scoped3A = tpu.sem_alloc : memref<!tpu.dma_semaphore, #tpu.memory_space<semaphore_mem>>
      %dma_start3A_68 = tpu.memref_slice %arg6[%mul3A_63] : memref<16384xf32, #tpu.memory_space<hbm>> -> memref<512xf32, #tpu.memory_space<hbm>>
      %dma_start3A_69 = tpu.memref_slice %arg6[%mul3A_63] : memref<16384xf32, #tpu.memory_space<hbm>> -> memref<512xf32, #tpu.memory_space<hbm>>
      tpu.enqueue_dma source(%arg17 : memref<512xf32, #tpu.memory_space<vmem>>) target(%dma_start3A_69 : memref<512xf32, #tpu.memory_space<hbm>>) target_semaphore(%run_scoped3A : memref<!tpu.dma_semaphore, #tpu.memory_space<semaphore_mem>>)
      %dma_wait3A = tpu.memref_slice %arg6[%mul3A_63] : memref<16384xf32, #tpu.memory_space<hbm>> -> memref<512xf32, #tpu.memory_space<hbm>>
      %dma_wait3A_70 = tpu.memref_slice %arg6[%mul3A_63] : memref<16384xf32, #tpu.memory_space<hbm>> -> memref<512xf32, #tpu.memory_space<hbm>>
      tpu.wait_dma2 semaphore(%run_scoped3A : memref<!tpu.dma_semaphore, #tpu.memory_space<semaphore_mem>>) src(%arg17 : memref<512xf32, #tpu.memory_space<vmem>>) dst(%dma_wait3A_70 : memref<512xf32, #tpu.memory_space<hbm>>)
      tpu.yield
    }) : () -> ()
    %mul3A_64 = arith.constant 512 : i32
    %mul3A_65 = arith.muli %add3A, %mul3A_64 : i32
    %mul3A_66 = arith.constant 20 : i32
    %mul3A_67 = arith.muli %mul3A_65, %mul3A_66 : i32
    "tpu.region"() ({
      %run_scoped3A = tpu.sem_alloc : memref<!tpu.dma_semaphore, #tpu.memory_space<semaphore_mem>>
      %dma_start3A_68 = tpu.memref_slice %arg7[%mul3A_67] : memref<327680xf32, #tpu.memory_space<hbm>> -> memref<10240xf32, #tpu.memory_space<hbm>>
      %dma_start3A_69 = tpu.memref_slice %arg7[%mul3A_67] : memref<327680xf32, #tpu.memory_space<hbm>> -> memref<10240xf32, #tpu.memory_space<hbm>>
      tpu.enqueue_dma source(%arg18 : memref<10240xf32, #tpu.memory_space<vmem>>) target(%dma_start3A_69 : memref<10240xf32, #tpu.memory_space<hbm>>) target_semaphore(%run_scoped3A : memref<!tpu.dma_semaphore, #tpu.memory_space<semaphore_mem>>)
      %dma_wait3A = tpu.memref_slice %arg7[%mul3A_67] : memref<327680xf32, #tpu.memory_space<hbm>> -> memref<10240xf32, #tpu.memory_space<hbm>>
      %dma_wait3A_70 = tpu.memref_slice %arg7[%mul3A_67] : memref<327680xf32, #tpu.memory_space<hbm>> -> memref<10240xf32, #tpu.memory_space<hbm>>
      tpu.wait_dma2 semaphore(%run_scoped3A : memref<!tpu.dma_semaphore, #tpu.memory_space<semaphore_mem>>) src(%arg18 : memref<10240xf32, #tpu.memory_space<vmem>>) dst(%dma_wait3A_70 : memref<10240xf32, #tpu.memory_space<hbm>>)
      tpu.yield
    }) : () -> ()
    return
  }
}

module attributes {stable_mosaic.version = 14 : i64} {
  func.func @_loss_body(%arg0: memref<128x128xf32, #tpu.memory_space<vmem>>, %arg1: memref<2560x128xf32, #tpu.memory_space<vmem>>, %arg2: memref<1x1xf32, #tpu.memory_space<smem>>) attributes {dimension_semantics = [], scalar_prefetch = 0 : i64, scratch_operands = 0 : i64, tpu.core_type = #tpu.core_type<tc>} {
    %get3A = arith.constant 0 : index
    %get3A_0 = arith.constant 0 : index
    %get3A_1 = vector.load %arg0[%get3A, %get3A_0] : memref<128x128xf32, #tpu.memory_space<vmem>>, vector<128x128xf32>
    %get3A_2 = arith.constant 0 : index
    %get3A_3 = arith.constant 0 : index
    %get3A_4 = vector.load %arg1[%get3A_2, %get3A_3] : memref<2560x128xf32, #tpu.memory_space<vmem>>, vector<2560x128xf32>
    %neg3A = arith.constant 0.000000e+00 : f32
    %neg3A_5 = vector.broadcast %neg3A : f32 to vector<2560x128xf32>
    %neg3A_6 = arith.subf %neg3A_5, %get3A_4 : vector<2560x128xf32>
    %min3A = arith.constant 0.000000e+00 : f32
    %min3A_7 = vector.broadcast %min3A : f32 to vector<128x128xf32>
    %min3A_8 = arith.minimumf %get3A_1, %min3A_7 : vector<128x128xf32>
    %abs3A = math.absf %get3A_1 : vector<128x128xf32>
    %neg3A_9 = arith.constant 0.000000e+00 : f32
    %neg3A_10 = vector.broadcast %neg3A_9 : f32 to vector<128x128xf32>
    %neg3A_11 = arith.subf %neg3A_10, %abs3A : vector<128x128xf32>
    %exp3A = math.exp %neg3A_11 : vector<128x128xf32>
    %log1p3A = math.log1p %exp3A : vector<128x128xf32>
    %sub3A = arith.subf %min3A_8, %log1p3A : vector<128x128xf32>
    %min3A_12 = arith.constant 0.000000e+00 : f32
    %min3A_13 = vector.broadcast %min3A_12 : f32 to vector<2560x128xf32>
    %min3A_14 = arith.minimumf %neg3A_6, %min3A_13 : vector<2560x128xf32>
    %abs3A_15 = math.absf %neg3A_6 : vector<2560x128xf32>
    %neg3A_16 = arith.constant 0.000000e+00 : f32
    %neg3A_17 = vector.broadcast %neg3A_16 : f32 to vector<2560x128xf32>
    %neg3A_18 = arith.subf %neg3A_17, %abs3A_15 : vector<2560x128xf32>
    %exp3A_19 = math.exp %neg3A_18 : vector<2560x128xf32>
    %log1p3A_20 = math.log1p %exp3A_19 : vector<2560x128xf32>
    %sub3A_21 = arith.subf %min3A_14, %log1p3A_20 : vector<2560x128xf32>
    %reduce_sum3A = vector.shape_cast %sub3A : vector<128x128xf32> to vector<1x128x128xf32>
    %reduce_sum3A_22 = arith.constant dense<0.000000e+00> : vector<1xf32>
    %reduce_sum3A_23 = vector.multi_reduction <add>, %reduce_sum3A, %reduce_sum3A_22 [1, 2] : vector<1x128x128xf32> to vector<1xf32>
    %reduce_sum3A_24 = vector.shape_cast %reduce_sum3A_23 : vector<1xf32> to vector<1x1x1xf32>
    %reduce_sum3A_25 = vector.extract %reduce_sum3A_24[0, 0, 0] : f32 from vector<1x1x1xf32>
    %div3A = arith.constant 1.638400e+04 : f32
    %div3A_26 = arith.divf %reduce_sum3A_25, %div3A : f32
    %reduce_sum3A_27 = vector.shape_cast %sub3A_21 : vector<2560x128xf32> to vector<1x2560x128xf32>
    %reduce_sum3A_28 = arith.constant dense<0.000000e+00> : vector<1xf32>
    %reduce_sum3A_29 = vector.multi_reduction <add>, %reduce_sum3A_27, %reduce_sum3A_28 [1, 2] : vector<1x2560x128xf32> to vector<1xf32>
    %reduce_sum3A_30 = vector.shape_cast %reduce_sum3A_29 : vector<1xf32> to vector<1x1x1xf32>
    %reduce_sum3A_31 = vector.extract %reduce_sum3A_30[0, 0, 0] : f32 from vector<1x1x1xf32>
    %div3A_32 = arith.constant 3.276800e+05 : f32
    %div3A_33 = arith.divf %reduce_sum3A_31, %div3A_32 : f32
    %add3A = arith.addf %div3A_26, %div3A_33 : f32
    %neg3A_34 = arith.constant 0.000000e+00 : f32
    %neg3A_35 = arith.subf %neg3A_34, %add3A : f32
    %mul3A = arith.constant 5.000000e-01 : f32
    %mul3A_36 = arith.mulf %neg3A_35, %mul3A : f32
    %swap3A = arith.constant 0 : index
    %swap3A_37 = arith.constant 0 : index
    %swap3A_38 = memref.load %arg2[%swap3A, %swap3A_37] : memref<1x1xf32, #tpu.memory_space<smem>>
    memref.store %mul3A_36, %arg2[%swap3A, %swap3A_37] : memref<1x1xf32, #tpu.memory_space<smem>>
    return
  }
}

</mosaic_0001>

<sc_bundles>
// kernel: kernel.4.cloned.1.call-start
scs
__scs_entry_jumppad:
0x0: {  	(pc) =	sbr.rel $0x88, $3  }
0x1: {  	(tag) =	ssettag $0x0;
	lr =	simm.s32 $0x1  }
0x2: {  	[smem:$0x3F9C] =	sst lr;
	_ =	strace $0xD0000000  }
0x3: {  	_ = 	snop  }
0x4: {  	_ = 	snop  }
0x5: {  	_ = 	snop  }
0x6: {  	_ = 	snop  }
0x7: {  	_ = 	snop  }
__scs_overlays_trampoline_lowered:
0x8: {  	[smem:$0x3FAB] =	sst s0  }
0x9: {  	[smem:$0x3FAC] =	sst s1  }
0xa: {  	[smem:$0x3FAD] =	sst s2  }
0xb: {  	[smem:$0x3FAE] =	sst s3  }
0xc: {  	[smem:$0x3FAF] =	sst s4  }
0xd: {  	[smem:$0x3FB0] =	sst s5  }
0xe: {  	[smem:$0x3FB1] =	sst s6  }
0xf: {  	[smem:$0x3FB2] =	sst s7  }
0x10: {  	[smem:$0x3FB3] =	sst s8  }
0x11: {  	[smem:$0x3FB4] =	sst s9;
	s0 =	simm.s32 @!p0 $0x0  }
0x12: {  	s1 =	sld [smem:$0x3F9A];
	s0 =	simm.s32 @p0 $0x1  }
0x13: {  	[smem:$0x3FB5] =	sst s0;
	s0 =	simm.s32 @!p1 $0x0  }
0x14: {  	s2 =	sld [smem:$0x3F99];
	s0 =	simm.s32 @p1 $0x1  }
0x15: {  	[smem:$0x3FB6] =	sst s0;
	s0 =	simm.s32 @!p2 $0x0  }
0x16: {  	s3 =	sld [smem:$0x3FDB];
	s0 =	simm.s32 @p2 $0x1  }
0x17: {  	s4 =	simm.s32 $0x1BF5;
	[smem:$0x3FB8] =	sst s0  }
0x18: {  	s0 =	sld [smem:$0x3F9B];
	_ =	swait.ge [sflag:s4], $0x0  }
0x19: {  	s7 =	sld [smem:$0x3F9C]  }
0x1a: {  	s8 =	sadd.s32 $0xFFFFE003, lr  }
0x1b: {  	s9 =	sadd.s32 $0xFFFFFEF7, lr;
	s5 =	simm.s32 $0xFFFFFFFF;
	p2 =	slt.u32 s8, $0xFFFFF086  }
0x1c: {  	p1 =	slt.u32 s9, $0xF7A;
	s5 =	simm.s32 @!p2 $0x0  }
0x1d: {  	s5 =	simm.s32 @p1 $0x1;
	p0 =	seq.s32 s7, s2  }
0x1e: {  	s7 =	smul.u32 @!p0 $0xF7A, s2;
	p2 =	seq.s32 @!p0 s5, $0x0  }
0x1f: {  	s9 =	smul.u32 $0xF7A, s1;
	s8 =	simm.s32 @!p0 $0x1BF5;
	p2 =	por !p2, p0  }
0x20: {  	[sflag:s8] =	ssyncset.s32 @!p0 $0xFFFFF086;
	s6 =	sadd.s32 @!p0 s3, s7;
	s7 =	simm.s32 @!p0 $0x108  }
0x21: {  	s3 =	sadd.s32 s3, s9;
	s6 =	sadd.s32 @!p0 $0x88, s6;
	s7 =	simm.s32 @p2 $0x1082  }
0x22: {  	[simem:s7], [sflag:s8] =	dma.local @!p0 [hbm:s6], $0xF7A  }
0x23: {  	s9 =	sor.u32 $0xD0000000, s2;
	s6 =	simm.s32 $0x108;
	_ =	swait.ge @!p0 [sflag:s8], $0x0  }
0x24: {  	s3 =	sadd.s32 $0x88, s3;
	s6 =	simm.s32 @!p1 $0x1082;
	[sflag:s4] =	ssyncset.s32 $0xFFFFF086  }
0x25: {  	[simem:s6], [sflag:s4] =	dma.local [hbm:s3], $0xF7A  }
0x26: {  	[smem:$0x3F9C] =	sst s1;
	(tag) =	ssettag s2;
	_ =	strace s9  }
0x27: {  	s1 =	sld [smem:$0x3FAC]  }
0x28: {  	s2 =	sld [smem:$0x3FAD]  }
0x29: {  	s4 =	sld [smem:$0x3FAF]  }
0x2a: {  	p0 =	seq.s32 s5, $0x0;
	s5 =	sld [smem:$0x3FB0]  }
0x2b: {  	s6 =	sld [smem:$0x3FB1]  }
0x2c: {  	s7 =	sld [smem:$0x3FB2]  }
0x2d: {  	s3 =	simm.s32 $0x108;
	s8 =	sld [smem:$0x3FB3]  }
0x2e: {  	s3 =	simm.s32 @!p0 $0x1082;
	s9 =	sld [smem:$0x3FB4]  }
0x2f: {  	lr =	sadd.s32 s0, s3;
	s0 =	sld [smem:$0x3FAB]  }
0x30: {  	s3 =	sld [smem:$0x3FAE]  }
0x31: {  	[smem:$0x3FB7] =	sst s10  }
0x32: {  	s10 =	sld [smem:$0x3FB5];
	_ =	sdelay $0x3  }
0x33: {  	p0 =	seq.s32 s10, $0x1;
	s10 =	sld [smem:$0x3FB7];
	_ =	sdelay $0x3  }
0x34: {  	[smem:$0x3FB7] =	sst s10  }
0x35: {  	s10 =	sld [smem:$0x3FB6];
	_ =	sdelay $0x3  }
0x36: {  	p1 =	seq.s32 s10, $0x1;
	s10 =	sld [smem:$0x3FB7];
	_ =	sdelay $0x3  }
0x37: {  	[smem:$0x3FB7] =	sst s10  }
0x38: {  	s10 =	sld [smem:$0x3FB8]  }
0x39: {  	_ = 	snop;
	(pc) =	sbr.ind lr, $3  }
0x3a: {  	_ = 	snop  }
0x3b: {  	_ = 	snop  }
0x3c: {  	p2 =	seq.s32 s10, $0x1;
	s10 =	sld [smem:$0x3FB7]  }
0x3d: {  	_ =	shalt  }
0x3e: {  	_ =	shalt  }
0x3f: {  	_ =	shalt  }
0x40: {  	_ =	shalt  }
0x41: {  	_ =	shalt  }
0x42: {  	_ =	shalt  }
0x43: {  	_ =	shalt  }
0x44: {  	_ =	shalt  }
0x45: {  	_ =	shalt  }
0x46: {  	_ =	shalt  }
0x47: {  	_ =	shalt  }
0x48: {  	_ =	shalt  }
0x49: {  	_ =	shalt  }
0x4a: {  	_ =	shalt  }
0x4b: {  	_ =	shalt  }
0x4c: {  	_ =	shalt  }
0x4d: {  	_ =	shalt  }
0x4e: {  	_ =	shalt  }
0x4f: {  	_ =	shalt  }
0x50: {  	_ =	shalt  }
0x51: {  	_ =	shalt  }
0x52: {  	_ =	shalt  }
0x53: {  	_ =	shalt  }
0x54: {  	_ =	shalt  }
0x55: {  	_ =	shalt  }
0x56: {  	_ =	shalt  }
0x57: {  	_ =	shalt  }
0x58: {  	_ =	shalt  }
0x59: {  	_ =	shalt  }
0x5a: {  	_ =	shalt  }
0x5b: {  	_ =	shalt  }
0x5c: {  	_ =	shalt  }
0x5d: {  	_ =	shalt  }
0x5e: {  	_ =	shalt  }
0x5f: {  	_ =	shalt  }
0x60: {  	_ =	shalt  }
0x61: {  	_ =	shalt  }
0x62: {  	_ =	shalt  }
0x63: {  	_ =	shalt  }
0x64: {  	_ =	shalt  }
0x65: {  	_ =	shalt  }
0x66: {  	_ =	shalt  }
0x67: {  	_ =	shalt  }
0x68: {  	_ =	shalt  }
0x69: {  	_ =	shalt  }
0x6a: {  	_ =	shalt  }
0x6b: {  	_ =	shalt  }
0x6c: {  	_ =	shalt  }
0x6d: {  	_ =	shalt  }
0x6e: {  	_ =	shalt  }
0x6f: {  	_ =	shalt  }
0x70: {  	_ =	shalt  }
0x71: {  	_ =	shalt  }
0x72: {  	_ =	shalt  }
0x73: {  	_ =	shalt  }
0x74: {  	_ =	shalt  }
0x75: {  	_ =	shalt  }
0x76: {  	_ =	shalt  }
0x77: {  	_ =	shalt  }
0x78: {  	_ =	shalt  }
0x79: {  	_ =	shalt  }
0x7a: {  	_ =	shalt  }
0x7b: {  	_ =	shalt  }
0x7c: {  	_ =	shalt  }
0x7d: {  	_ =	shalt  }
0x7e: {  	_ =	shalt  }
0x7f: {  	_ =	shalt  }
0x80: {  	_ =	shalt  }
0x81: {  	_ =	shalt  }
0x82: {  	_ =	shalt  }
0x83: {  	_ =	shalt  }
0x84: {  	_ =	shalt  }
0x85: {  	_ =	shalt  }
0x86: {  	_ =	shalt  }
0x87: {  	_ =	shalt  }
.Lfunc_end0:
.L_simem_size_0:
called_computation_lowered:
.L_overlay_start_0:
0x88: {  	s2 =	sld [smem:$0x3FD9]  }
0x89: {  	s3 =	sld [smem:$0x3FFE];
	_ =	sdelay $0x1  }
0x8a: {  	s1 =	srdreg.scid  }
0x8b: {  	s0 =	sand.u32 $0x1, s1  }
0x8c: {  	s17 =	sshll.u32 s0, $0xA;
	s2 =	sadd.s32 s3, s2  }
0x8d: {  	s2 =	sadd.s32 s2, s17  }
0x8e: {  	[smem:$0x3FC3] =	sst s2  }
0x8f: {  	_ = 	snop  }
0x90: {  	s2 =	sld [smem:$0x3FC7]  }
0x91: {  	s18 =	sld [smem:$0x3FC6];
	(tm) =	ssettm $0x1  }
0x92: {  	s4 =	sld [smem:$0x3FFB];
	_ =	sdelay $0x3  }
0x93: {  	_ =	strace s4  }
0x94: {  	s4 =	sld [smem:$0x3FFC];
	_ =	sdelay $0x3  }
0x95: {  	_ =	strace s4  }
0x96: {  	s4 =	sld [smem:$0x3FFD];
	_ =	sdelay $0x3  }
0x97: {  	_ =	strace s4  }
0x98: {  	_ =	strace $0x8FFFFFFF  }
0x99: {  	s19 =	sld [smem:$0x3FDB];
	_ =	sdelay $0x1  }
0x9a: {  	s5 =	simm.s32 $_scs_section_size  }
0x9b: {  	s6 =	simm.s32 $_size__tile_overlayer_lowered;
	s7 =	simm.s32 $_tile_overlayer_lowered  }
0x9c: {  	s22 =	simm.s32 $0x1BFF;
	s21 =	sshll.u32 s7, $0x1;
	s4 =	sadd.s32 s5, s19  }
0x9d: {  	s8 =	simm.s32 $0x0;
	s20 =	sshll.u32 s6, $0x1;
	s6 =	sadd.s32 s21, s4  }
0x9e: {  	[timem:s8], [sflag:s22] =	dma.local [hbm:s6], s20  }
0x9f: {  	_ =	swait.ge [sflag:s22], s20  }
0xa0: {  	s5 =	ssub.s32 $0x0, s20;
	[sflag:s22] =	ssyncset.done $0x0  }
0xa1: {  	[sflag:s22] =	ssyncadd.s32 s5;
	_ =	sdelay $0x1  }
0xa2: {  	s23 =	simm.s32 $0x1B8B  }
0xa3: {  	_ =	swait.ge [sflag:s23], $0x1  }
0xa4: {  	[sflag:s23] =	ssyncset.done $0x0  }
0xa5: {  	s25 =	simm.s32 $0x1B8E;
	s24 =	sld [smem:$0x3FFE];
	[sflag:s23] =	ssyncadd.s32 $0xFFFFFFFF  }
0xa6: {  	s26 =	simm.s32 $execute0_lowered;
	[smem:$0x3FD2] =	sst s25  }
0xa7: {  	s6 =	sshll.u32 s26, $0x1;
	_ =	strace $0x80000046;
	[dreg:$0x1] =	wrdreg $0xFFFFFFFF  }
0xa8: {  	s28 =	simm.s32 $_size_execute0_lowered;
	s4 =	sadd.s32 s4, s6;
	[dreg:$0x0] =	wrdreg $0x0  }
0xa9: {  	s6 =	sshll.u32 s28, $0x1;
	[dreg:$0x2] =	wrdreg s4  }
0xaa: {  	[dreg:$0x3] =	wrdreg s6  }
0xab: {  	[dreg:$0x4] =	wrdreg $0xC0  }
0xac: {  	_ =	task [dreg:s8], $0x5FFFF  }
0xad: {  	[dreg:$0x1] =	wrdreg $0xFFFFFFFF  }
0xae: {  	[dreg:$0x0] =	wrdreg $0x60  }
0xaf: {  	[dreg:$0x2] =	wrdreg s24  }
0xb0: {  	[dreg:$0x3] =	wrdreg s2  }
0xb1: {  	[dreg:$0x4] =	wrdreg s18  }
0xb2: {  	[dreg:$0x5] =	wrdreg $0x9  }
0xb3: {  	_ =	task.clear_ibuf [dreg:s8], $0x6FFFF;
	_ =	strace $0x90000046  }
0xb4: {  	s29 =	simm.s32 $0x9;
	_ =	strace $0x80000048  }
0xb5: {  	_ =	swait.ge [sflag:s29], $0x1  }
0xb6: {  	[sflag:s29] =	ssyncadd.s32 $0xFFFFFFFF  }
0xb7: {  	_ =	strace $0x90000048  }
0xb8: {  	_ =	sfence  }
0xb9: {  	s30 =	sld [smem:$0x0];
	_ =	sdelay $0x2  }
0xba: {  	s31 =	sshll.u32 s1, $0xD;
	s1 =	sshrl.u32 s1, $0x2  }
0xbb: {  	s3 =	sand.u32 $0x4000, s31;
	s1 =	sadd.s32 s1, s30  }
0xbc: {  	s0 =	sor.u32 s3, s0;
	s1 =	sshll.u32 s1, $0x11  }
0xbd: {  	s0 =	sor.u32 s1, s0  }
0xbe: {  	s0 =	sadd.s32 $0x8F2B, s0  }
0xbf: {  	[sflag:s0] =	ssyncadd.remote.s32 $0x1  }
0xc0: {  	_ =	sfence.sel $0xFFFF  }
0xc1: {  	[dreg:$0x0] =	wrdreg $0xFFFFFFFF;
	(pc) =	sbr.abs _section_cstart, $3  }
0xc2: {  	[dreg:$0x1] =	wrdreg $0xFFFFFFFF  }
0xc3: {  	_ =	task.clear_ibuf [dreg:s8], $0x2FFFF;
	_ =	strace $0x9FFFFFFF  }
0xc4: {  	(tm) =	ssettm $0x7FFFFFFF  }
0xc5: {  	_ =	shalt  }
tec
execute0_lowered:
.L_overlay_start_1:
0x0: {  	(tag) =	ssettag $0x1  }
0x1: {  	v6 =	vlaneseq.u32  }
0x2: {  	v1 =	vimm.s32 $0x5C483420;
	v2 =	vimm.s32 $0x2C180470;
	v3 =	vimm.s32 $0xC786450  }
0x3: {  	v4 =	vimm.s32 $0x3C281400;
	v44 =	vimm.s32 $0x5D493521;
	v5 =	vimm.s32 $0x2D190571  }
0x4: {  	vm0 =	vcmask $0x1F10;
	v48 =	vimm.s32 $0xD796551;
	v50 =	vimm.s32 $0x3D291501  }
0x5: {  	v52 =	vimm.s32 $0x5E4A3622;
	v54 =	vimm.s32 $0x2E1A0672;
	v55 =	vimm.s32 $0xE7A6652  }
0x6: {  	v56 =	vimm.s32 $0x3E2A1602;
	v57 =	vimm.s32 $0x5F4B3723;
	v58 =	vimm.s32 $0x2F1B0773  }
0x7: {  	v61 =	vimm.s32 $0xF7B6753;
	v62 =	vimm.s32 $0x3F2B1703;
	v9 =	vimm.s32 $0x604C3824  }
0x8: {  	v10 =	vimm.s32 $0x301C0874;
	v11 =	vimm.s32 $0x402C1804;
	v34 =	vimm.s32 $0x107C6854  }
0x9: {  	v7 =	vimm.s32 $0x614D3925;
	v8 =	vimm.s32 $0x311D0975;
	v40 =	vimm.s32 $0x412D1905  }
0xa: {  	v12 =	vimm.s32 $0x14006C58;
	v51 =	vmul.u32 $0x80, v6;
	v0 =	vmul.u32 $0xA00, v6  }
0xb: {  	v1 =	vunpack.c.0.s8.s32 v1;
	v2 =	vunpack.c.0.s8.s32 v2;
	v3 =	vunpack.c.0.s8.s32 v3  }
0xc: {  	v26 =	vunpack.c.0.s8.s32 v4;
	v4 =	vunpack.c.0.s8.s32 v44;
	v5 =	vunpack.c.0.s8.s32 v5  }
0xd: {  	v25 =	vunpack.c.0.s8.s32 v50;
	v53 =	vunpack.c.0.s8.s32 v52;
	v23 =	vunpack.c.0.s8.s32 v56  }
0xe: {  	v14 =	vmul.u32 $0x14, v6;
	v63 =	vunpack.c.0.s8.s32 v61;
	v6 =	vunpack.c.0.s8.s32 v34  }
0xf: {  	v7 =	vunpack.c.0.s8.s32 v7;
	v8 =	vunpack.c.0.s8.s32 v8;
	v50 =	vimm.s32 $0x127E6A56  }
0x10: {  	v12 =	vunpack.c.0.s8.s32 v12;
	v34 =	vimm.s32 $0x15016D59;
	v21 =	vor.u32 $0x40, v0  }
0x11: {  	v22 =	vor.u32 $0xC0, v0;
	v24 =	vor.u32 $0x140, v0;
	v29 =	vor.u32 $0x1C0, v0  }
0x12: {  	v43 =	vadd.s32 $0x240, v0;
	v41 =	vadd.s32 $0x2C0, v0;
	v30 =	vadd.s32 $0x340, v0  }
0x13: {  	v42 =	vadd.s32 $0x3C0, v0;
	v27 =	vadd.s32 $0x440, v0;
	v32 =	vadd.s32 $0x4C0, v0  }
0x14: {  	v15 =	vadd.s32 $0x540, v0;
	v28 =	vadd.s32 $0x5C0, v0;
	v31 =	vadd.s32 $0x640, v0  }
0x15: {  	v49 =	vadd.s32 $0x6C0, v0;
	v19 =	vadd.s32 $0x740, v0;
	v38 =	vadd.s32 $0x7C0, v0  }
0x16: {  	v33 =	vadd.s32 $0x840, v0;
	v13 =	vadd.s32 $0x8C0, v0;
	v39 =	vadd.s32 $0x940, v0  }
0x17: {  	v44 =	vadd.s32 $0x9C0, v0;
	v45 =	vsel vm0, v2, v1;
	v46 =	vsel vm0, v3, v26  }
0x18: {  	v47 =	vsel vm0, v5, v4;
	v1 =	vunpack.c.0.s8.s32 v48;
	v3 =	vunpack.c.0.s8.s32 v54  }
0x19: {  	v4 =	vunpack.c.0.s8.s32 v55;
	v5 =	vunpack.c.0.s8.s32 v58;
	v37 =	vsel vm0, v8, v7  }
0x1a: {  	v48 =	vimm.s32 $0x422E1A06;
	v54 =	vimm.s32 $0x634F3B27;
	v55 =	vimm.s32 $0x331F0B77  }
0x1b: {  	v58 =	vimm.s32 $0x137F6B57;
	v0 =	vcombine.low v46, v45;
	v45 =	vimm.s32 $0x117D6955  }
0x1c: {  	v46 =	vimm.s32 $0x624E3A26;
	v52 =	vunpack.c.0.s8.s32 v48;
	v56 =	vunpack.c.0.s8.s32 v55  }
0x1d: {  	v8 =	vunpack.c.0.s8.s32 v58;
	v48 =	vimm.s32 $0x16026E5A;
	v1 =	vsel vm0, v1, v25  }
0x1e: {  	v2 =	vsel vm0, v3, v53;
	v4 =	vsel vm0, v4, v23;
	v3 =	vunpack.c.0.s8.s32 v57  }
0x1f: {  	v53 =	vunpack.c.0.s8.s32 v50;
	v57 =	vimm.s32 $0x432F1B07;
	v50 =	vimm.s32 $0x67533F2B  }
0x20: {  	[tilespmem:$0x1FD00] =	vst v0;
	v0 =	vcombine.low v1, v47;
	v59 =	vcombine.low v4, v2;
	v2 =	vunpack.c.0.s8.s32 v9  }
0x21: {  	v4 =	vunpack.c.0.s8.s32 v10;
	v47 =	vimm.s32 $0x321E0A76;
	v9 =	vimm.s32 $0x64503C28  }
0x22: {  	v7 =	vunpack.c.0.s8.s32 v57;
	v10 =	vimm.s32 $0x34200C78;
	v60 =	vsel vm0, v5, v3  }
0x23: {  	v5 =	vunpack.c.0.s8.s32 v11;
	v9 =	vunpack.c.0.s8.s32 v9;
	v11 =	vimm.s32 $0x44301C08  }
0x24: {  	v10 =	vunpack.c.0.s8.s32 v10;
	[tilespmem:$0x1FD10] =	vst v0;
	v0 =	vunpack.c.0.s8.s32 v62;
	v35 =	vsel vm0, v4, v2  }
0x25: {  	v2 =	vunpack.c.0.s8.s32 v40;
	v4 =	vunpack.c.0.s8.s32 v46;
	v11 =	vunpack.c.0.s8.s32 v11  }
0x26: {  	v61 =	vsel vm0, v8, v7;
	v8 =	vunpack.c.0.s8.s32 v34;
	v34 =	vimm.s32 $0x4834200C  }
0x27: {  	v36 =	vsel vm0, v6, v5;
	v5 =	vunpack.c.0.s8.s32 v47;
	v62 =	vsel vm0, v10, v9  }
0x28: {  	v9 =	vimm.s32 $0x65513D29;
	v10 =	vimm.s32 $0x35210D79;
	v47 =	vimm.s32 $0x46321E0A  }
0x29: {  	v3 =	vsel vm0, v63, v0;
	v63 =	vsel vm0, v12, v11;
	v11 =	vimm.s32 $0x45311D09  }
0x2a: {  	v6 =	vunpack.c.0.s8.s32 v10;
	v1 =	vcombine.low v3, v60;
	v3 =	vunpack.c.0.s8.s32 v45  }
0x2b: {  	v4 =	vsel vm0, v5, v4;
	v5 =	vunpack.c.0.s8.s32 v54;
	v7 =	vunpack.c.0.s8.s32 v11  }
0x2c: {  	v54 =	vimm.s32 $0x17036F5B;
	[tilespmem:$0x1FD30] =	vst v1;
	v1 =	vcombine.low v36, v35;
	v2 =	vsel vm0, v3, v2  }
0x2d: {  	v3 =	vsel vm0, v53, v52;
	v60 =	vsel vm0, v56, v5;
	v5 =	vunpack.c.0.s8.s32 v9  }
0x2e: {  	v35 =	vimm.s32 $0x66523E2A;
	v36 =	vimm.s32 $0x36220E7A;
	v45 =	vsel vm0, v8, v7  }
0x2f: {  	v52 =	vimm.s32 $0x37230F7B;
	v53 =	vimm.s32 $0x47331F0B;
	v56 =	vunpack.c.0.s8.s32 v54  }
0x30: {  	[tilespmem:$0x1FD20] =	vst v59;
	v54 =	vimm.s32 $0x1A06725E;
	v59 =	vcombine.low v3, v4;
	v9 =	vunpack.c.0.s8.s32 v35  }
0x31: {  	v10 =	vunpack.c.0.s8.s32 v36;
	v4 =	vunpack.c.0.s8.s32 v47;
	v7 =	vunpack.c.0.s8.s32 v52  }
0x32: {  	v55 =	vunpack.c.0.s8.s32 v53;
	v35 =	vimm.s32 $0x1804705C;
	v36 =	vimm.s32 $0x6955412D  }
0x33: {  	v3 =	vunpack.c.0.s8.s32 v34;
	v47 =	vimm.s32 $0x6A56422E;
	v52 =	vimm.s32 $0x3A26127E  }
0x34: {  	v53 =	vimm.s32 $0x4A36220E;
	[tilespmem:$0x1FD40] =	vst v1;
	v1 =	vcombine.low v2, v37;
	v37 =	vcombine.low v63, v62  }
0x35: {  	v40 =	vsel vm0, v6, v5;
	v5 =	vunpack.c.0.s8.s32 v48;
	v6 =	vunpack.c.0.s8.s32 v50;
	[tilespmem:$0x1FD60] =	vst v59  }
0x36: {  	v46 =	vsel vm0, v10, v9;
	v59 =	vsel vm0, v56, v55;
	[tilespmem:$0x1FD50] =	vst v1;
	v1 =	vcombine.low v61, v60  }
0x37: {  	v4 =	vsel vm0, v5, v4;
	v58 =	vsel vm0, v7, v6;
	v60 =	vimm.s32 $0x6854402C  }
0x38: {  	[tilespmem:$0x1FD80] =	vst v37;
	v61 =	vimm.s32 $0x3824107C;
	v5 =	vunpack.c.0.s8.s32 v36;
	v37 =	vimm.s32 $0x3925117D  }
0x39: {  	v57 =	vcombine.low v4, v46;
	v62 =	vunpack.c.0.s8.s32 v60;
	v4 =	vunpack.c.0.s8.s32 v35  }
0x3a: {  	v6 =	vunpack.c.0.s8.s32 v37;
	[tilespmem:$0x1FD70] =	vst v1;
	v1 =	vcombine.low v45, v40;
	v40 =	vimm.s32 $0x4935210D  }
0x3b: {  	v63 =	vunpack.c.0.s8.s32 v61;
	v45 =	vimm.s32 $0x1905715D;
	v7 =	vunpack.c.0.s8.s32 v40  }
0x3c: {  	v8 =	vunpack.c.0.s8.s32 v45;
	v46 =	vsel vm0, v4, v3;
	v48 =	vsel vm0, v6, v5  }
0x3d: {  	v3 =	vunpack.c.0.s8.s32 v47;
	v6 =	vunpack.c.0.s8.s32 v52;
	[tilespmem:$0x1FD90] =	vst v1;
	v1 =	vcombine.low v59, v58  }
0x3e: {  	v50 =	vsel vm0, v8, v7;
	v7 =	vunpack.c.0.s8.s32 v53;
	v8 =	vunpack.c.0.s8.s32 v54  }
0x3f: {  	[tilespmem:$0x1FDB0] =	vst v1;
	v1 =	vsel vm0, v63, v62;
	v55 =	vcombine.low v50, v48  }
0x40: {  	s0 =	rddreg [dreg:$0x0];
	s1 =	srdreg.scid;
	[tilespmem:$0x1FDA0] =	vst v57;
	v57 =	vsel vm0, v6, v3;
	v1 =	vcombine.low v46, v1;
	v58 =	vsel vm0, v8, v7  }
0x41: {  	s2 =	rddreg [dreg:$0x1];
	s4 =	sand.u32 $0x1, s1;
	s1 =	simm.s32 $0x0;
	[tilespmem:$0x1FDD0] =	vst v55;
	v2 =	vcombine.low v58, v57  }
0x42: {  	[smem:$0x7FF] =	sst s1;
	[tilespmem:$0x1FDC0] =	vst v1  }
0x43: {  	s5 =	rddreg [dreg:$0x2];
	v35 =	vor.u32 $0x1, v14;
	v59 =	vimm.s32 $0x3B27137F;
	_ =	strace $0x80000047;
	[tilespmem:$0x1FDE0] =	vst v2  }
0x44: {  	v60 =	vimm.s32 $0x4B37230F;
	v4 =	vunpack.c.0.s8.s32 v59;
	v59 =	vor.u32 $0x2, v14;
	[tilespmem:$0x1FDF0] =	vst v35  }
0x45: {  	v61 =	vimm.s32 $0x1B07735F;
	v5 =	vunpack.c.0.s8.s32 v60;
	v60 =	vor.u32 $0x3, v14;
	[tilespmem:$0x1FE30] =	vst v59  }
0x46: {  	v6 =	vunpack.c.0.s8.s32 v61;
	v61 =	vadd.s32 $0x4, v14;
	[tilespmem:$0x1FE40] =	vst v60  }
0x47: {  	v63 =	vimm.s32 $0x4C382410;
	[tilespmem:$0x1FE50] =	vst v61  }
0x48: {  	v8 =	vunpack.c.0.s8.s32 v63;
	v63 =	vadd.s32 $0x5, v14;
	[tilespmem:$0x1FE60] =	vst v14  }
0x49: {  	[tilespmem:$0x1FE70] =	vst v63  }
0x4a: {  	[tilespmem:$0x1FEA0] =	vst v13  }
0x4b: {  	[tilespmem:$0x1FEB0] =	vst v15  }
0x4c: {  	[tilespmem:$0x1FEC0] =	vst v19  }
0x4d: {  	[tilespmem:$0x1FED0] =	vst v27  }
0x4e: {  	[tilespmem:$0x1FEE0] =	vst v28  }
0x4f: {  	[tilespmem:$0x1FEF0] =	vst v31  }
0x50: {  	[tilespmem:$0x1FF00] =	vst v33  }
0x51: {  	[tilespmem:$0x1FF10] =	vst v24  }
0x52: {  	[tilespmem:$0x1FF20] =	vst v38  }
0x53: {  	[tilespmem:$0x1FF30] =	vst v30  }
0x54: {  	v34 =	vimm.s32 $0x1C087460;
	[tilespmem:$0x1FF40] =	vst v29  }
0x55: {  	v56 =	vimm.s32 $0x6B57432F;
	v45 =	vimm.s32 $0x6D594531;
	[tilespmem:$0x1FF50] =	vst v49  }
0x56: {  	v20 =	vor.u32 $0x40, v51;
	v47 =	vimm.s32 $0x1D097561;
	v54 =	vimm.s32 $0x4E3A2612;
	[tilespmem:$0x1FF60] =	vst v39  }
0x57: {  	v9 =	vunpack.c.0.s8.s32 v34;
	v62 =	vimm.s32 $0x6C584430;
	v50 =	vimm.s32 $0x6E5A4632;
	[tilespmem:$0x1FF70] =	vst v22  }
0x58: {  	s11 =	simm.s32 $0x2C00;
	v7 =	vunpack.c.0.s8.s32 v62;
	v36 =	vsel vm0, v6, v5;
	v46 =	vimm.s32 $0x4D392511;
	[tilespmem:$0x1FF80] =	vst v32  }
0x59: {  	s12 =	simm.s32 $0x3400;
	s13 =	simm.s32 $0x3C00;
	s28 =	simm.s32 $0xE400;
	v5 =	vunpack.c.0.s8.s32 v45;
	v6 =	vunpack.c.0.s8.s32 v46;
	v1 =	vunpack.c.0.s8.s32 v56;
	[tilespmem:$0x1FF90] =	vst v44  }
0x5a: {  	s3 =	stileid.u32;
	s29 =	simm.s32 $0xEC00;
	s30 =	simm.s32 $0x10C00;
	v55 =	vimm.s32 $0x1E0A7662;
	v37 =	vsel vm0, v26, v7;
	v7 =	vunpack.c.0.s8.s32 v47;
	[tilespmem:$0x1FFA0] =	vst v41  }
0x5b: {  	s23 =	simm.s32 $0x3;
	s24 =	simm.s32 $0x10;
	s25 =	simm.s32 $0x40;
	v57 =	vimm.s32 $0x4F3B2713;
	v58 =	vimm.s32 $0x1F0B7763;
	[tilespmem:$0x1FFB0] =	vst v42;
	v1 =	vsel vm0, v4, v1  }
0x5c: {  	s31 =	simm.s32 $0x12C00;
	s14 =	simm.s32 $0x1;
	s3 =	sshll.u32 s3, $0x1;
	v52 =	vsel vm0, v25, v5;
	[tilespmem:$0x1FFC0] =	vst v43;
	v53 =	vsel vm0, v7, v6;
	v1 =	vcombine.low v36, v1  }
0x5d: {  	s15 =	simm.s32 $0x18C00;
	s16 =	simm.s32 $0x18E00;
	s6 =	sor.u32 s4, s3;
	v40 =	vsel vm0, v9, v8;
	v56 =	vimm.s32 $0x6F5B4733;
	[tilespmem:$0x1FFD0] =	vst v21;
	v2 =	vcombine.low v53, v52  }
0x5e: {  	s18 =	simm.s32 $0x2;
	s19 =	simm.s32 $0x0;
	s7 =	smul.u32 $0x500, s6;
	v5 =	vunpack.c.0.s8.s32 v57;
	v4 =	vunpack.c.0.s8.s32 v56;
	v6 =	vunpack.c.0.s8.s32 v58;
	[tilespmem:$0x1FE00] =	vst v1  }
0x5f: {  	s3 =	sadd.s32 $0x1E8F600, s0;
	s4 =	ssub.s32 $0x2, s4;
	s8 =	sshll.u32 s6, $0x6;
	v3 =	vunpack.c.0.s8.s32 v55;
	v1 =	vunpack.c.0.s8.s32 v50;
	[tilespmem:$0x1FE20] =	vst v2;
	v2 =	vunpack.c.0.s8.s32 v54  }
0x60: {  	s26 =	sshrl.u32 s4, $0x1;
	s6 =	sadd.s32 s8, s0;
	s0 =	sadd.s32 s7, s0;
	v48 =	vcombine.low v40, v37;
	[tilespmem:$0x1FFE0] =	vst v20;
	v0 =	vsel vm0, v0, v4;
	v62 =	vsel vm0, v6, v5  }
0x61: {  	s4 =	ssub.s32 s4, s26;
	s26 =	simm.s32 $0xDC00;
	s9 =	sadd.s32 $0x1E85600, s0;
	[tilespmem:$0x1FFF0] =	vst v51;
	v0 =	vcombine.low v62, v0;
	v1 =	vsel vm0, v23, v1;
	v2 =	vsel vm0, v3, v2  }
0x62: {  	s6 =	sadd.s32 $0xAE00, s6;
	s7 =	sadd.s32 s5, s8;
	[dreg:$0x4] =	wrdreg s9;
	[tilespmem:$0x1FE10] =	vst v48;
	v1 =	vcombine.low v2, v1  }
0x63: {  	s17 =	smax.u32 s4, $0x1;
	[dreg:$0x5] =	wrdreg s6;
	s6 =	sadd.s32 s2, s8;
	[tilespmem:$0x1FE90] =	vst v0  }
0x64: {  	s8 =	sadd.s32 $0xE00, s0;
	s2 =	simm.s32 $0x14C00;
	s0 =	simm.s32 $0x16C00;
	[tilespmem:$0x1FE80] =	vst v1  }
.LBB2_1:
0x65: {  	[tilespmem:s1], [sflag:$0x3] =	stream.linear.gather [hbm4b:s6+s1], $0x200, $0x38;
	[tilespmem:$0x1B600] =	vst v63  }
0x66: {  	_ =	swait.ge [sflag:s23], $0x200  }
0x67: {  	[sflag:s23] =	ssyncset.done $0x0  }
0x68: {  	s5 =	simm.s32 $0x200;
	[sflag:s23] =	ssyncadd.s32 $0xFFFFFE00  }
0x69: {  	[tilespmem:s5], [sflag:$0x3] =	stream.linear.gather [hbm4b:s7+s1], $0x200, $0x38;
	[tilespmem:$0x1B600] =	vst v63  }
0x6a: {  	_ =	swait.ge [sflag:s23], $0x200  }
0x6b: {  	[sflag:s23] =	ssyncset.done $0x0  }
0x6c: {  	s9 =	simm.s32 $0x400;
	s4 =	rddreg [dreg:$0x4];
	[sflag:s23] =	ssyncadd.s32 $0xFFFFFE00  }
0x6d: {  	[tilespmem:s9], [sflag:$0x3] =	stream.linear.gather [hbm4b:s4+s1], $0x2800, $0x38;
	[tilespmem:$0x1B600] =	vst v63  }
0x6e: {  	_ =	swait.ge [sflag:s23], $0x2800  }
0x6f: {  	[sflag:s23] =	ssyncset.done $0x0  }
0x70: {  	[sflag:s23] =	ssyncadd.s32 $0xFFFFD800  }
0x71: {  	[tilespmem:s11], [sflag:$0x1] =	stream.indirect.gather [hbm4b:s3+s24], $0x80, s1, s24, $0xb8;
	[tilespmem:$0x1B600] =	vst v63  }
0x72: {  	_ = 	snop  }
0x73: {  	[tilespmem:s12], [sflag:$0x1] =	stream.indirect.gather [hbm4b:s3+s24], $0x80, s5, s24, $0xb8;
	[tilespmem:$0x1B600] =	vst v63  }
0x74: {  	_ = 	snop  }
0x75: {  	[tilespmem:s13], [sflag:$0x1] =	stream.indirect.gather [hbm4b:s3+s25], $0x80, s9, s25, $0xb8;
	[tilespmem:$0x1B600] =	vst v63  }
0x76: {  	s21 =	simm.s32 $0x440;
	s22 =	simm.s32 $0x5C00  }
0x77: {  	[tilespmem:s22], [sflag:$0x1] =	stream.indirect.gather [hbm4b:s3+s25], $0x80, s21, s25, $0xb8;
	[tilespmem:$0x1B600] =	vst v63  }
0x78: {  	s5 =	simm.s32 $0x480;
	s9 =	simm.s32 $0x7C00  }
0x79: {  	[tilespmem:s9], [sflag:$0x1] =	stream.indirect.gather [hbm4b:s3+s25], $0x80, s5, s25, $0xb8;
	[tilespmem:$0x1B600] =	vst v63  }
0x7a: {  	s10 =	simm.s32 $0x4C0;
	s20 =	simm.s32 $0x9C00  }
0x7b: {  	[tilespmem:s20], [sflag:$0x1] =	stream.indirect.gather [hbm4b:s3+s25], $0x80, s10, s25, $0xb8;
	[tilespmem:$0x1B600] =	vst v63  }
0x7c: {  	s21 =	simm.s32 $0x500;
	s22 =	simm.s32 $0xBC00;
	s20 =	simm.s32 $0x0  }
0x7d: {  	[tilespmem:s22], [sflag:$0x1] =	stream.indirect.gather [hbm4b:s3+s25], $0x80, s21, s25, $0xb8;
	[tilespmem:$0x1B600] =	vst v63  }
.LBB2_2:
0x7e: {  	s4 =	sshllo.u32 s20, $0x1  }
0x7f: {  	s22 =	sshll.u32 s4, $0x4  }
0x80: {  	[tilespmem:s26], [sflag:$0x2] =	stream.indirect.gather [hbm4b:s3+s24], $0x80, s22, s24, $0xb8;
	[tilespmem:$0x1B600] =	vst v63  }
0x81: {  	s21 =	smul.u32 $0x140, s4;
	s5 =	sadd.s32 $0x200, s22  }
0x82: {  	[tilespmem:s28], [sflag:$0x2] =	stream.indirect.gather [hbm4b:s3+s24], $0x80, s5, s24, $0xb8;
	[tilespmem:$0x1B600] =	vst v63  }
0x83: {  	s4 =	sadd.s32 $0x400, s21  }
0x84: {  	[tilespmem:s29], [sflag:$0x2] =	stream.indirect.gather [hbm4b:s3+s25], $0x80, s4, s25, $0xb8;
	[tilespmem:$0x1B600] =	vst v63  }
0x85: {  	s5 =	sadd.s32 $0x440, s21  }
0x86: {  	[tilespmem:s30], [sflag:$0x2] =	stream.indirect.gather [hbm4b:s3+s25], $0x80, s5, s25, $0xb8;
	[tilespmem:$0x1B600] =	vst v63  }
0x87: {  	s9 =	sadd.s32 $0x480, s21  }
0x88: {  	[tilespmem:s31], [sflag:$0x2] =	stream.indirect.gather [hbm4b:s3+s25], $0x80, s9, s25, $0xb8;
	[tilespmem:$0x1B600] =	vst v63  }
0x89: {  	s10 =	sadd.s32 $0x4C0, s21  }
0x8a: {  	[tilespmem:s2], [sflag:$0x2] =	stream.indirect.gather [hbm4b:s3+s25], $0x80, s10, s25, $0xb8;
	[tilespmem:$0x1B600] =	vst v63  }
0x8b: {  	s5 =	sadd.s32 $0x500, s21  }
0x8c: {  	[tilespmem:s0], [sflag:$0x2] =	stream.indirect.gather [hbm4b:s3+s25], $0x80, s5, s25, $0xb8;
	[tilespmem:$0x1B600] =	vst v63  }
0x8d: {  	_ =	swait.ge [sflag:s14], $0x800  }
0x8e: {  	[sflag:s14] =	ssyncset.done $0x0  }
0x8f: {  	[sflag:s14] =	ssyncadd.s32 $0xFFFFF800  }
0x90: {  	s9 =	simm.s32 $0x1;
	_ =	swait.ge [sflag:s14], $0x800  }
0x91: {  	v2 =	vor.u32 s9, v29;
	[sflag:s14] =	ssyncset.done $0x0  }
0x92: {  	[sflag:s14] =	ssyncadd.s32 $0xFFFFF800  }
0x93: {  	_ =	swait.ge [sflag:s14], $0xA000  }
0x94: {  	[sflag:s14] =	ssyncset.done $0x0  }
0x95: {  	v0 =	vor.u32 s9, v49;
	s10 =	simm.s32 $0x0;
	[sflag:s14] =	ssyncadd.s32 $0xFFFF6000  }
0x96: {  	v1 =	vor.u32 s10, v49;
	v2 =	vld.idx.msk [tilespmem:v2+s13+$0x0], $0xffff  }
0x97: {  	v3 =	vor.u32 s9, v28;
	_ =	sdelay $0x2  }
0x98: {  	v0 =	vld.idx.msk [tilespmem:v0+s13+$0x0], $0xffff  }
0x99: {  	v7 =	vld.idx.msk [tilespmem:v1+s13+$0x0], $0xffff;
	[tilespmem:$0x1FC80] =	vst v2  }
0x9a: {  	v3 =	vld.idx.msk [tilespmem:v3+s13+$0x0], $0xffff;
	_ =	sdelay $0x1  }
0x9b: {  	v4 =	vor.u32 s9, v15  }
0x9c: {  	v5 =	vor.u32 s9, v44  }
0x9d: {  	v1 =	vor.u32 s9, v51  }
0x9e: {  	[tilespmem:$0x1FC90] =	vst v3;
	v3 =	vor.u32 s9, v33  }
0x9f: {  	v6 =	vor.u32 s10, v13  }
0xa0: {  	v2 =	vor.u32 s9, v24;
	v11 =	vld.idx.msk [tilespmem:v4+s13+$0x0], $0xffff  }
0xa1: {  	v5 =	vld.idx.msk [tilespmem:v5+s13+$0x0], $0xffff;
	v4 =	vor.u32 s9, v43  }
0xa2: {  	v50 =	vld.idx.msk [tilespmem:v1+s11+$0x0], $0xffff;
	v1 =	vor.u32 s9, v31  }
0xa3: {  	v10 =	vld.idx.msk [tilespmem:v3+s13+$0x0], $0xffff;
	v3 =	vor.u32 s9, v20  }
0xa4: {  	v9 =	vor.u32 s9, v27;
	v6 =	vld.idx.msk [tilespmem:v6+s13+$0x0], $0xffff  }
0xa5: {  	v14 =	vor.u32 s10, v51;
	v2 =	vld.idx.msk [tilespmem:v2+s13+$0x0], $0xffff  }
0xa6: {  	v17 =	vor.u32 s9, v38;
	v12 =	vld.idx.msk [tilespmem:v4+s13+$0x0], $0xffff  }
0xa7: {  	v8 =	vor.u32 s9, v30;
	v18 =	vld.idx.msk [tilespmem:v1+s13+$0x0], $0xffff  }
0xa8: {  	v34 =	vor.u32 s10, v27;
	v4 =	vor.u32 s9, v13;
	v27 =	vld.idx.msk [tilespmem:v3+s12+$0x0], $0xffff  }
0xa9: {  	v40 =	vimm.f32 $0.0e+00;
	v9 =	vld.idx.msk [tilespmem:v9+s13+$0x0], $0xffff;
	v1 =	vor.u32 s9, v39  }
0xaa: {  	v59 =	vimm.f32 $0.0e+00;
	v25 =	vor.u32 s10, v28;
	v26 =	vor.u32 s10, v31;
	v31 =	vld.idx.msk [tilespmem:v14+s11+$0x0], $0xffff  }
0xab: {  	v45 =	vimm.f32 $0.0e+00;
	v57 =	vimm.f32 $0.0e+00;
	v15 =	vor.u32 s10, v15;
	v14 =	vld.idx.msk [tilespmem:v17+s13+$0x0], $0xffff  }
0xac: {  	v16 =	vor.u32 s10, v19;
	v19 =	vor.u32 s9, v19;
	v13 =	vld.idx.msk [tilespmem:v8+s13+$0x0], $0xffff;
	v3 =	vmul.f32 v18, v50  }
0xad: {  	v46 =	vor.u32 s10, v30;
	v30 =	vmul.f32 v10, v50;
	v28 =	vld.idx.msk [tilespmem:v4+s13+$0x0], $0xffff;
	v10 =	vmul.f32 v27, v50  }
0xae: {  	v60 =	vimm.f32 $0.0e+00;
	v53 =	vimm.f32 $0.0e+00;
	v47 =	vimm.f32 $0.0e+00;
	v37 =	vld.idx.msk [tilespmem:v1+s13+$0x0], $0xffff;
	[tilespmem:$0x1FCA0] =	vst v3  }
0xaf: {  	v23 =	vor.u32 s10, v33;
	v35 =	vor.u32 s10, v32;
	v36 =	vor.u32 s10, v41;
	v18 =	vld.idx.msk [tilespmem:v25+s13+$0x0], $0xffff;
	[tilespmem:$0x1FCB0] =	vst v10  }
0xb0: {  	v54 =	vor.u32 s10, v24;
	v56 =	vor.u32 s10, v44;
	v12 =	vmul.f32 v12, v50;
	v10 =	vld.idx.msk [tilespmem:v15+s13+$0x0], $0xffff  }
0xb1: {  	v17 =	vor.u32 s9, v22;
	v52 =	vmul.f32 v9, v50;
	v1 =	vor.u32 s10, v38;
	v9 =	vld.idx.msk [tilespmem:v26+s13+$0x0], $0xffff  }
0xb2: {  	v38 =	vor.u32 s9, v21;
	v15 =	vld.idx.msk [tilespmem:v19+s13+$0x0], $0xffff;
	[tilespmem:$0x1FCC0] =	vst v12;
	v12 =	vmul.f32 v0, v50;
	v0 =	vmul.f32 v14, v50  }
0xb3: {  	v24 =	vor.u32 s10, v20;
	v33 =	vor.u32 s9, v32;
	v22 =	vor.u32 s9, v42  }
0xb4: {  	v7 =	vmul.f32 v7, v31;
	v4 =	vor.u32 s10, v21;
	v21 =	vor.u32 s10, v39;
	v44 =	vld.idx.msk [tilespmem:v16+s13+$0x0], $0xffff;
	[tilespmem:$0x1FCD0] =	vst v0  }
0xb5: {  	v8 =	vor.u32 s10, v29;
	v55 =	vmul.f32 v6, v31;
	v11 =	vmul.f32 v11, v50;
	v58 =	vld.idx.msk [tilespmem:v23+s13+$0x0], $0xffff  }
0xb6: {  	v7 =	vadd.f32 v7, v40;
	v48 =	vmul.f32 v13, v50;
	v19 =	vor.u32 s9, v41;
	v6 =	vld.idx.msk [tilespmem:v17+s13+$0x0], $0xffff  }
0xb7: {  	v39 =	vimm.f32 $0.0e+00;
	v3 =	vor.u32 s10, v42;
	v32 =	vmul.f32 v28, v50;
	v13 =	vld.idx.msk [tilespmem:v38+s13+$0x0], $0xffff  }
0xb8: {  	v42 =	vimm.f32 $0.0e+00;
	v63 =	vmul.f32 v37, v50;
	v37 =	vmul.f32 v5, v50;
	v62 =	vld.idx.msk [tilespmem:v33+s13+$0x0], $0xffff  }
0xb9: {  	v14 =	vor.u32 s10, v43;
	v26 =	vmul.f32 v2, v50;
	v43 =	vadd.f32 v55, v40;
	v17 =	vld.idx.msk [tilespmem:v21+s13+$0x0], $0xffff  }
0xba: {  	v55 =	vimm.f32 $0.0e+00;
	v41 =	vimm.f32 $0.0e+00;
	v27 =	vadd.f32 v12, v7;
	v7 =	vld.idx.msk [tilespmem:v22+s13+$0x0], $0xffff  }
0xbb: {  	v0 =	vimm.f32 $0.0e+00;
	v5 =	vmul.f32 v10, v31;
	v10 =	vmul.f32 v9, v31;
	v9 =	vld.idx.msk [tilespmem:v19+s13+$0x0], $0xffff  }
0xbc: {  	v16 =	vmul.f32 v18, v31;
	v12 =	vimm.f32 $0.0e+00;
	v25 =	vmul.f32 v15, v50;
	v15 =	vld.idx.msk [tilespmem:v36+s13+$0x0], $0xffff;
	[tilespmem:$0x1FCE0] =	vst v0  }
0xbd: {  	v38 =	vimm.f32 $0.0e+00;
	v0 =	vimm.f32 $0.0e+00;
	v18 =	vld.idx.msk [tilespmem:v35+s13+$0x0], $0xffff;
	v35 =	vimm.f32 $0.0e+00  }
0xbe: {  	s4 =	simm.s32 $0x2;
	s9 =	sshll.u32 s20, $0x1;
	v19 =	vld.idx.msk [tilespmem:v34+s13+$0x0], $0xffff;
	[tilespmem:$0x1FCF0] =	vst v0;
	v34 =	vimm.f32 $0.0e+00;
	v2 =	vadd.f32 v5, v40;
	v5 =	vimm.f32 $0.0e+00  }
.LBB2_3:
0xbf: {  	v33 =	vld [tilespmem:$0x1FF70]  }
0xc0: {  	v29 =	vld [tilespmem:$0x1FEB0]  }
0xc1: {  	[tilespmem:$0x1FC60] =	vst v27;
	v27 =	vld [tilespmem:$0x1FEE0]  }
0xc2: {  	v8 =	vld.idx.msk [tilespmem:v8+s13+$0x0], $0xffff  }
0xc3: {  	s5 =	sadd.s32 $0x1, s4;
	v28 =	vld [tilespmem:$0x1FEA0]  }
0xc4: {  	v4 =	vld.idx.msk [tilespmem:v4+s13+$0x0], $0xffff;
	v23 =	vor.u32 s5, v49;
	v20 =	vor.u32 s10, v33;
	s10 =	smov.u32 s4  }
0xc5: {  	v36 =	vld.idx.msk [tilespmem:v3+s13+$0x0], $0xffff;
	v0 =	vor.u32 s10, v29  }
0xc6: {  	v3 =	vmul.f32 v6, v50;
	v24 =	vld.idx.msk [tilespmem:v24+s12+$0x0], $0xffff;
	[tilespmem:$0x1FC40] =	vst v0;
	v0 =	vor.u32 s5, v27  }
0xc7: {  	v16 =	vadd.f32 v16, v40;
	v40 =	vld.idx.msk [tilespmem:v14+s13+$0x0], $0xffff;
	v2 =	vadd.f32 v11, v2  }
0xc8: {  	[tilespmem:$0x1FC10] =	vst v3;
	v3 =	vld [tilespmem:$0x1FF40]  }
0xc9: {  	[tilespmem:$0x1FC70] =	vst v2;
	v2 =	vmul.f32 v7, v50;
	v7 =	vld.idx.msk [tilespmem:v23+s13+$0x0], $0xffff  }
0xca: {  	v23 =	vadd.f32 v32, v43;
	v43 =	vld.idx.msk [tilespmem:v54+s13+$0x0], $0xffff  }
0xcb: {  	v0 =	vld.idx.msk [tilespmem:v0+s13+$0x0], $0xffff  }
0xcc: {  	v54 =	vmul.f32 v9, v50;
	v9 =	vld [tilespmem:$0x1FC90]  }
0xcd: {  	v17 =	vmul.f32 v17, v31;
	v1 =	vld.idx.msk [tilespmem:v1+s13+$0x0], $0xffff;
	v6 =	vor.u32 s5, v3  }
0xce: {  	v21 =	vmul.f32 v62, v50;
	v62 =	vmov v26;
	v26 =	vld [tilespmem:$0x1FEC0];
	v24 =	vmul.f32 v24, v31  }
0xcf: {  	v5 =	vadd.f32 v17, v5;
	v17 =	vld [tilespmem:$0x1FC80]  }
0xd0: {  	[tilespmem:$0x1FC90] =	vst v0;
	v0 =	vadd.f32 v24, v57;
	v57 =	vld [tilespmem:$0x1FF00]  }
0xd1: {  	v61 =	vor.u32 s10, v49;
	v40 =	vmul.f32 v40, v31;
	v32 =	vld.idx.msk [tilespmem:v56+s13+$0x0], $0xffff;
	v56 =	vmul.f32 v9, v50  }
0xd2: {  	v6 =	vld.idx.msk [tilespmem:v6+s13+$0x0], $0xffff  }
0xd3: {  	v46 =	vld.idx.msk [tilespmem:v46+s13+$0x0], $0xffff;
	v12 =	vadd.f32 v40, v12;
	v40 =	vadd.f32 v56, v16;
	v56 =	vor.u32 s5, v26  }
0xd4: {  	v15 =	vmul.f32 v15, v31;
	v10 =	vadd.f32 v10, v60;
	v60 =	vld [tilespmem:$0x1FF30];
	v19 =	vmul.f32 v19, v31  }
0xd5: {  	v18 =	vmul.f32 v18, v31;
	v8 =	vmul.f32 v8, v31;
	v20 =	vld.idx.msk [tilespmem:v20+s13+$0x0], $0xffff;
	v24 =	vor.u32 s5, v57  }
0xd6: {  	v15 =	vadd.f32 v15, v59;
	v4 =	vmul.f32 v4, v31;
	v17 =	vmul.f32 v17, v50;
	v9 =	vld.idx.msk [tilespmem:v61+s13+$0x0], $0xffff  }
0xd7: {  	v8 =	vadd.f32 v8, v39;
	[tilespmem:$0x1FC80] =	vst v6;
	v6 =	vmul.f32 v44, v31;
	v44 =	vmul.f32 v58, v31;
	v58 =	vld [tilespmem:$0x1FF10]  }
0xd8: {  	v1 =	vmul.f32 v1, v31;
	v59 =	vmul.f32 v46, v31;
	v22 =	vor.u32 s10, v28;
	v61 =	vld.idx.msk [tilespmem:v56+s13+$0x0], $0xffff  }
0xd9: {  	v49 =	vmul.f32 v36, v31;
	v39 =	vadd.f32 v17, v8;
	v17 =	vmul.f32 v43, v31;
	v56 =	vld [tilespmem:$0x1FFE0]  }
0xda: {  	v20 =	vmul.f32 v20, v31;
	v31 =	vmul.f32 v32, v31;
	v32 =	vld.idx.msk [tilespmem:v24+s13+$0x0], $0xffff  }
0xdb: {  	v8 =	vor.u32 s5, v60;
	v24 =	vld [tilespmem:$0x1FCE0]  }
0xdc: {  	v18 =	vadd.f32 v18, v45;
	v16 =	vor.u32 s5, v58  }
0xdd: {  	v46 =	vld [tilespmem:$0x1FEF0]  }
0xde: {  	v45 =	vadd.f32 v21, v18;
	v18 =	vld.idx.msk [tilespmem:v22+s13+$0x0], $0xffff;
	v22 =	vadd.f32 v59, v38;
	_ =	sdelay $0x1  }
0xdf: {  	v38 =	vadd.f32 v48, v22;
	v48 =	vld.idx.msk [tilespmem:v8+s13+$0x0], $0xffff;
	v22 =	vor.u32 s5, v56;
	v24 =	vadd.f32 v44, v24  }
0xe0: {  	v13 =	vmul.f32 v13, v50;
	v4 =	vadd.f32 v4, v42;
	v8 =	vor.u32 s5, v28;
	v43 =	vld.idx.msk [tilespmem:v16+s13+$0x0], $0xffff  }
0xe1: {  	v16 =	vor.u32 s5, v46;
	v24 =	vadd.f32 v30, v24;
	v30 =	vld [tilespmem:$0x1FF60]  }
0xe2: {  	v42 =	vadd.f32 v13, v4;
	v4 =	vld [tilespmem:$0x1FCB0]  }
0xe3: {  	v14 =	vor.u32 s10, v26;
	v26 =	vld [tilespmem:$0x1FCD0]  }
0xe4: {  	v13 =	vld.idx.msk [tilespmem:v22+s12+$0x0], $0xffff  }
0xe5: {  	v22 =	vld.idx.msk [tilespmem:v8+s13+$0x0], $0xffff  }
0xe6: {  	v59 =	vadd.f32 v54, v15;
	v15 =	vld.idx.msk [tilespmem:v16+s13+$0x0], $0xffff;
	v16 =	vor.u32 s5, v30  }
0xe7: {  	v8 =	vor.u32 s10, v3;
	v3 =	vld [tilespmem:$0x1FCF0]  }
0xe8: {  	v17 =	vadd.f32 v17, v53;
	v53 =	vld [tilespmem:$0x1FF80]  }
0xe9: {  	v44 =	vld.idx.msk [tilespmem:v14+s13+$0x0], $0xffff;
	[tilespmem:$0x1FCE0] =	vst v24;
	v24 =	vadd.f32 v31, v35;
	v31 =	vadd.f32 v49, v47  }
0xea: {  	v14 =	vld [tilespmem:$0x1FCA0]  }
0xeb: {  	v47 =	vadd.f32 v2, v31;
	v2 =	vld.idx.msk [tilespmem:v16+s13+$0x0], $0xffff  }
0xec: {  	v1 =	vadd.f32 v1, v41;
	v16 =	vadd.f32 v20, v3;
	v3 =	vld [tilespmem:$0x1FFD0];
	_ =	sdelay $0x1  }
0xed: {  	v27 =	vor.u32 s10, v27;
	v41 =	vadd.f32 v26, v1;
	v28 =	vor.u32 s10, v53  }
0xee: {  	v26 =	vor.u32 s10, v57;
	v57 =	vadd.f32 v4, v0;
	v49 =	vor.u32 s10, v46  }
0xef: {  	v46 =	vor.u32 s10, v60;
	v60 =	vadd.f32 v14, v10;
	v14 =	vor.u32 s5, v53  }
0xf0: {  	v53 =	vadd.f32 v62, v17;
	v4 =	vor.u32 s10, v3;
	v17 =	vor.u32 s5, v3;
	v3 =	vld [tilespmem:$0x1FC10];
	_ =	sdelay $0x4  }
0xf1: {  	[tilespmem:$0x1FC30] =	vst v34;
	v3 =	vadd.f32 v3, v16;
	v16 =	vld.idx.msk [tilespmem:v27+s13+$0x0], $0xffff  }
0xf2: {  	v27 =	vor.u32 s10, v30;
	v30 =	vld [tilespmem:$0x1FC30];
	_ =	sdelay $0x1  }
0xf3: {  	[tilespmem:$0x1FC20] =	vst v63;
	v63 =	vor.u32 s5, v51;
	_ =	sdelay $0x2  }
0xf4: {  	v62 =	vadd.f32 v6, v30;
	v6 =	vld [tilespmem:$0x1FC40]  }
0xf5: {  	v34 =	vld [tilespmem:$0x1FF90]  }
0xf6: {  	v50 =	vld.idx.msk [tilespmem:v63+s11+$0x0], $0xffff  }
0xf7: {  	v35 =	vld [tilespmem:$0x1FFA0]  }
0xf8: {  	v11 =	vor.u32 s5, v29;
	v19 =	vadd.f32 v19, v55;
	v36 =	vld [tilespmem:$0x1FFC0]  }
0xf9: {  	v29 =	vld [tilespmem:$0x1FED0]  }
0xfa: {  	[tilespmem:$0x1FC50] =	vst v25;
	v25 =	vor.u32 s5, v34;
	v55 =	vadd.f32 v52, v19;
	v52 =	vld [tilespmem:$0x1FF20];
	v37 =	vadd.f32 v37, v24  }
0xfb: {  	v1 =	vor.u32 s10, v51;
	v54 =	vor.u32 s10, v58;
	v58 =	vld.idx.msk [tilespmem:v26+s13+$0x0], $0xffff  }
0xfc: {  	v0 =	vor.u32 s10, v35;
	v26 =	vor.u32 s5, v35;
	v35 =	vmovc v37;
	v37 =	vld.idx.msk [tilespmem:v6+s13+$0x0], $0xffff;
	v6 =	vmul.f32 v15, v50  }
0xfd: {  	v11 =	vld.idx.msk [tilespmem:v11+s13+$0x0], $0xffff  }
0xfe: {  	[tilespmem:$0x1FCA0] =	vst v6;
	v6 =	vld [tilespmem:$0x1FCC0]  }
0xff: {  	v25 =	vld.idx.msk [tilespmem:v25+s13+$0x0], $0xffff  }
0x100: {  	v10 =	vor.u32 s5, v33;
	v31 =	vld.idx.msk [tilespmem:v1+s11+$0x0], $0xffff  }
0x101: {  	v63 =	vor.u32 s5, v52;
	v1 =	vor.u32 s10, v52;
	v52 =	vld [tilespmem:$0x1FFB0]  }
0x102: {  	v19 =	vor.u32 s5, v29;
	v20 =	vld [tilespmem:$0x1FC20]  }
0x103: {  	v21 =	vor.u32 s5, v36;
	v15 =	vld.idx.msk [tilespmem:v0+s13+$0x0], $0xffff;
	v12 =	vadd.f32 v6, v12;
	v6 =	vmul.f32 v13, v50  }
0x104: {  	v0 =	vld [tilespmem:$0x1FC60]  }
0x105: {  	[tilespmem:$0x1FCB0] =	vst v6;
	v6 =	vld.idx.msk [tilespmem:v10+s13+$0x0], $0xffff  }
0x106: {  	v10 =	vld [tilespmem:$0x1FC50]  }
0x107: {  	v19 =	vld.idx.msk [tilespmem:v19+s13+$0x0], $0xffff  }
0x108: {  	v21 =	vld.idx.msk [tilespmem:v21+s13+$0x0], $0xffff  }
0x109: {  	v24 =	vor.u32 s10, v56;
	v13 =	vld.idx.msk [tilespmem:v17+s13+$0x0], $0xffff;
	v17 =	vmul.f32 v9, v31  }
0x10a: {  	v63 =	vld.idx.msk [tilespmem:v63+s13+$0x0], $0xffff;
	v56 =	vor.u32 s10, v34;
	v33 =	vmul.f32 v18, v31;
	v5 =	vadd.f32 v20, v5  }
0x10b: {  	v18 =	vld.idx.msk [tilespmem:v28+s13+$0x0], $0xffff;
	[tilespmem:$0x1FCF0] =	vst v3;
	v3 =	vor.u32 s10, v52;
	v0 =	vadd.f32 v17, v0;
	v34 =	vadd.f32 v10, v62  }
0x10c: {  	v20 =	vld.idx.msk [tilespmem:v49+s13+$0x0], $0xffff;
	v10 =	vor.u32 s5, v52;
	v52 =	vmul.f32 v19, v50;
	v19 =	vmul.f32 v7, v50  }
0x10d: {  	v29 =	vor.u32 s10, v29;
	v48 =	vmul.f32 v48, v50;
	v11 =	vmul.f32 v11, v50;
	v17 =	vld.idx.msk [tilespmem:v27+s13+$0x0], $0xffff  }
0x10e: {  	p0 =	slt.u32 s4, $0x3E;
	v30 =	vmul.f32 v32, v50;
	v9 =	vmul.f32 v21, v50;
	v27 =	vadd.f32 v19, v0;
	v0 =	vld [tilespmem:$0x1FC70]  }
.Ltmp0:
0x10f: {  	v49 =	vld [tilespmem:$0x1FF50];
	v32 =	vmul.f32 v22, v50;
	v7 =	vmul.f32 v63, v50;
	(pc) =	sbr.rel @p0 .LBB2_3-.Ltmp0, $4  }
0x110: {  	v16 =	vmul.f32 v16, v31;
	[tilespmem:$0x1FCC0] =	vst v9;
	v9 =	vld.idx.msk [tilespmem:v26+s13+$0x0], $0xffff;
	v63 =	vmul.f32 v2, v50  }
0x111: {  	v62 =	vld.idx.msk [tilespmem:v14+s13+$0x0], $0xffff;
	v2 =	vmul.f32 v37, v31;
	[tilespmem:$0x1FCD0] =	vst v7;
	v7 =	vmul.f32 v25, v50  }
0x112: {  	v26 =	vmul.f32 v43, v50;
	v43 =	vadd.f32 v33, v23;
	v25 =	vmul.f32 v61, v50;
	v19 =	vld.idx.msk [tilespmem:v29+s13+$0x0], $0xffff  }
0x113: {  	s4 =	sadd.s32 $0x2, s4;
	v14 =	vor.u32 s10, v36;
	v37 =	vmovc v7;
	v7 =	vld.idx.msk [tilespmem:v10+s13+$0x0], $0xffff;
	v10 =	vmul.f32 v20, v31;
	v2 =	vadd.f32 v2, v0  }
0x114: {  	_ =	sdelay $0x3  }
0x115: {  	v0 =	vld.idx.msk [tilespmem:v8+s13+$0x0], $0xffff  }
0x116: {  	v8 =	vld.idx.msk [tilespmem:v14+s13+$0x0], $0xffff  }
0x117: {  	v61 =	vld [tilespmem:$0x1FF70]  }
0x118: {  	v21 =	vld.idx.msk [tilespmem:v24+s12+$0x0], $0xffff  }
0x119: {  	v23 =	vld.idx.msk [tilespmem:v1+s13+$0x0], $0xffff  }
0x11a: {  	v1 =	vld [tilespmem:$0x1FC90]  }
0x11b: {  	v3 =	vld.idx.msk [tilespmem:v3+s13+$0x0], $0xffff  }
0x11c: {  	v15 =	vmul.f32 v15, v31  }
0x11d: {  	v20 =	vor.u32 s10, v61;
	v8 =	vmul.f32 v8, v31  }
0x11e: {  	v4 =	vld.idx.msk [tilespmem:v4+s13+$0x0], $0xffff;
	v16 =	vadd.f32 v16, v40;
	v9 =	vmul.f32 v9, v50;
	v15 =	vadd.f32 v15, v59  }
0x11f: {  	v22 =	vld.idx.msk [tilespmem:v54+s13+$0x0], $0xffff;
	v21 =	vmul.f32 v21, v31;
	v8 =	vadd.f32 v8, v12;
	v12 =	vmul.f32 v1, v50  }
0x120: {  	v9 =	vadd.f32 v9, v15;
	v15 =	vld [tilespmem:$0x1FCB0];
	v3 =	vmul.f32 v3, v31  }
0x121: {  	v17 =	vmul.f32 v17, v31;
	v12 =	vadd.f32 v12, v16;
	v16 =	vadd.f32 v21, v57;
	v21 =	vld [tilespmem:$0x1FCE0]  }
0x122: {  	v7 =	vmul.f32 v7, v50;
	v3 =	vadd.f32 v3, v47;
	v20 =	vld.idx.msk [tilespmem:v20+s13+$0x0], $0xffff  }
0x123: {  	v18 =	vmul.f32 v18, v31;
	v13 =	vmul.f32 v13, v50;
	v1 =	vadd.f32 v17, v5;
	v5 =	vld [tilespmem:$0x1FC80]  }
0x124: {  	v6 =	vmul.f32 v6, v50;
	v2 =	vadd.f32 v11, v2;
	v3 =	vadd.f32 v7, v3;
	v7 =	vld [tilespmem:$0x1FCF0]  }
0x125: {  	v11 =	vld.idx.msk [tilespmem:v46+s13+$0x0], $0xffff;
	v10 =	vadd.f32 v10, v60;
	v14 =	vmul.f32 v62, v50;
	v17 =	vmul.f32 v58, v31  }
0x126: {  	v18 =	vadd.f32 v18, v45;
	v4 =	vmul.f32 v4, v31;
	v15 =	vadd.f32 v15, v16;
	v16 =	vld [tilespmem:$0x1FCA0]  }
0x127: {  	v0 =	vmul.f32 v0, v31;
	v17 =	vadd.f32 v17, v21;
	v21 =	vld.idx.msk [tilespmem:v56+s13+$0x0], $0xffff;
	v20 =	vmul.f32 v20, v31  }
0x128: {  	v19 =	vmul.f32 v19, v31;
	v14 =	vadd.f32 v14, v18;
	v4 =	vadd.f32 v4, v42  }
0x129: {  	v0 =	vadd.f32 v0, v39;
	v5 =	vmul.f32 v5, v50;
	v7 =	vadd.f32 v20, v7  }
0x12a: {  	v18 =	vmul.f32 v23, v31;
	v11 =	vmul.f32 v11, v31;
	v4 =	vadd.f32 v13, v4  }
0x12b: {  	v13 =	vmul.f32 v44, v31;
	v0 =	vadd.f32 v5, v0;
	v6 =	vadd.f32 v6, v7;
	v7 =	vld [tilespmem:$0x1FCC0]  }
0x12c: {  	v5 =	vmul.f32 v22, v31;
	v10 =	vadd.f32 v16, v10;
	v16 =	vmul.f32 v21, v31;
	v31 =	vld [tilespmem:$0x1FE60];
	_ =	sdelay $0x1  }
0x12d: {  	v22 =	vld [tilespmem:$0x1FD00]  }
0x12e: {  	s4 =	smul.u32 $0x280, s20;
	_ =	sdelay $0x1  }
0x12f: {  	v20 =	vld [tilespmem:$0x1FDF0];
	v7 =	vadd.f32 v7, v8;
	v8 =	vadd.s32 s4, v31  }
0x130: {  	v8 =	vand.u32 $0x7F80, v8  }
0x131: {  	v8 =	vor.u32 v22, v8;
	v22 =	vld [tilespmem:$0x1FD10];
	_ =	sdelay $0x2  }
0x132: {  	v20 =	vadd.s32 s4, v20  }
0x133: {  	v20 =	vand.u32 $0x7F80, v20  }
0x134: {  	v13 =	vadd.f32 v13, v34;
	v20 =	vor.u32 v22, v20;
	v22 =	vld [tilespmem:$0x1FE30];
	_ =	sdelay $0x1  }
0x135: {  	v13 =	vadd.f32 v25, v13;
	v25 =	vld [tilespmem:$0x1FD20];
	_ =	sdelay $0x2  }
0x136: {  	v23 =	vld [tilespmem:$0x1FE40];
	v22 =	vadd.s32 s4, v22  }
0x137: {  	v22 =	vand.u32 $0x7F80, v22  }
0x138: {  	v22 =	vor.u32 v25, v22;
	v25 =	vld [tilespmem:$0x1FD30];
	_ =	sdelay $0x2  }
0x139: {  	v24 =	vld [tilespmem:$0x1FE50];
	v23 =	vadd.s32 s4, v23  }
0x13a: {  	v23 =	vand.u32 $0x7F80, v23  }
0x13b: {  	v23 =	vor.u32 v25, v23;
	v25 =	vld [tilespmem:$0x1FD40];
	_ =	sdelay $0x1  }
0x13c: {  	s5 =	sshll.u32 s20, $0x5;
	v21 =	vlaneseq.u32  }
0x13d: {  	v24 =	vadd.s32 s4, v24;
	v21 =	vor.u32 s5, v21  }
0x13e: {  	v33 =	vmov v30;
	v30 =	vld [tilespmem:$0x1FD60];
	v24 =	vand.u32 $0x7F80, v24;
	v5 =	vadd.f32 v5, v53  }
0x13f: {  	v24 =	vor.u32 v25, v24;
	v25 =	vld [tilespmem:$0x1FE70]  }
0x140: {  	v5 =	vadd.f32 v26, v5;
	v26 =	vadd.s32 $0x6, v31  }
0x141: {  	v29 =	vld [tilespmem:$0x1FD50];
	[tilespmem:$0x1FAB0] =	vst v26  }
0x142: {  	v28 =	vadd.s32 s4, v26;
	v26 =	vadd.s32 $0x7, v31;
	[tilespmem:v21+s15+$0x0] =	vst.idx.msk $0xffff, v15  }
0x143: {  	v28 =	vand.u32 $0x7F80, v28;
	[tilespmem:$0x1FAC0] =	vst v26  }
0x144: {  	v28 =	vor.u32 v30, v28;
	v30 =	vld [tilespmem:$0x1FD70];
	[tilespmem:v8+s16+$0x0] =	vst.idx.msk $0xffff, v4;
	v25 =	vadd.s32 s4, v25  }
0x145: {  	[tilespmem:v20+s16+$0x0] =	vst.idx.msk $0xffff, v6;
	v25 =	vand.u32 $0x7F80, v25  }
0x146: {  	v11 =	vadd.f32 v11, v38;
	v4 =	vld [tilespmem:$0x1FD80];
	[tilespmem:v22+s16+$0x0] =	vst.idx.msk $0xffff, v5;
	v25 =	vor.u32 v29, v25  }
0x147: {  	v6 =	vld [tilespmem:$0x1FD90];
	[tilespmem:v23+s16+$0x0] =	vst.idx.msk $0xffff, v0;
	v29 =	vadd.s32 s4, v26  }
0x148: {  	v11 =	vadd.f32 v48, v11;
	v5 =	vld [tilespmem:$0x1FDA0];
	[tilespmem:v24+s16+$0x0] =	vst.idx.msk $0xffff, v7;
	v26 =	vadd.s32 $0x8, v31;
	v29 =	vand.u32 $0x7F80, v29  }
0x149: {  	[tilespmem:$0x1FAD0] =	vst v26;
	v29 =	vor.u32 v30, v29;
	v30 =	vadd.s32 s4, v26;
	v26 =	vadd.s32 $0x9, v31  }
0x14a: {  	v7 =	vld [tilespmem:$0x1FDB0];
	v15 =	vand.u32 $0x7F80, v30;
	[tilespmem:$0x1FAE0] =	vst v26;
	v21 =	vadd.s32 s4, v26;
	v26 =	vadd.s32 $0xA, v31  }
0x14b: {  	v4 =	vor.u32 v4, v15;
	v8 =	vand.u32 $0x7F80, v21;
	v15 =	vadd.s32 s4, v26;
	[tilespmem:v25+s16+$0x0] =	vst.idx.msk $0xffff, v9;
	v9 =	vld [tilespmem:$0x1FDC0]  }
0x14c: {  	v6 =	vor.u32 v6, v8;
	v8 =	vand.u32 $0x7F80, v15;
	v15 =	vadd.s32 $0xB, v31  }
0x14d: {  	v5 =	vor.u32 v5, v8;
	[tilespmem:$0x1FB00] =	vst v15;
	v8 =	vadd.s32 s4, v15;
	v15 =	vadd.s32 $0xC, v31  }
0x14e: {  	v19 =	vadd.f32 v19, v55;
	[tilespmem:v28+s16+$0x0] =	vst.idx.msk $0xffff, v11;
	v0 =	vand.u32 $0x7F80, v8;
	v8 =	vadd.s32 s4, v15  }
0x14f: {  	[tilespmem:$0x1FB10] =	vst v15;
	v0 =	vor.u32 v7, v0;
	v7 =	vand.u32 $0x7F80, v8  }
0x150: {  	v19 =	vadd.f32 v52, v19;
	v15 =	vadd.s32 $0xD, v31;
	[tilespmem:v29+s16+$0x0] =	vst.idx.msk $0xffff, v3;
	v7 =	vor.u32 v9, v7;
	v9 =	vld [tilespmem:$0x1FDD0]  }
0x151: {  	[tilespmem:$0x1FB20] =	vst v15  }
0x152: {  	[tilespmem:v4+s16+$0x0] =	vst.idx.msk $0xffff, v19;
	v4 =	vld [tilespmem:$0x1FDE0]  }
0x153: {  	v8 =	vadd.s32 s4, v15;
	[tilespmem:v6+s16+$0x0] =	vst.idx.msk $0xffff, v14;
	v6 =	vld [tilespmem:$0x1FE00]  }
0x154: {  	v15 =	vadd.s32 $0xE, v31;
	v8 =	vand.u32 $0x7F80, v8;
	[tilespmem:v5+s16+$0x0] =	vst.idx.msk $0xffff, v2;
	v2 =	vld [tilespmem:$0x1FE10]  }
0x155: {  	v11 =	vadd.s32 $0xF, v31;
	v8 =	vor.u32 v9, v8;
	v9 =	vadd.s32 s4, v15  }
0x156: {  	[tilespmem:$0x1FB40] =	vst v11;
	v3 =	vand.u32 $0x7F80, v9;
	v9 =	vadd.s32 s4, v11;
	v11 =	vadd.s32 $0x10, v31  }
0x157: {  	v3 =	vor.u32 v4, v3;
	v4 =	vand.u32 $0x7F80, v9;
	v9 =	vadd.s32 s4, v11  }
0x158: {  	[tilespmem:v0+s16+$0x0] =	vst.idx.msk $0xffff, v12;
	v4 =	vor.u32 v6, v4;
	v6 =	vand.u32 $0x7F80, v9;
	v9 =	vadd.s32 $0x11, v31  }
0x159: {  	[tilespmem:v7+s16+$0x0] =	vst.idx.msk $0xffff, v10;
	v7 =	vld [tilespmem:$0x1FCD0];
	v2 =	vor.u32 v2, v6;
	v5 =	vadd.s32 s4, v9;
	v6 =	vadd.s32 $0x12, v31  }
0x15a: {  	v0 =	vand.u32 $0x7F80, v5;
	[tilespmem:$0x1FB70] =	vst v6;
	v5 =	vadd.s32 s4, v6;
	v6 =	vld [tilespmem:$0x1FE20]  }
0x15b: {  	[tilespmem:v8+s16+$0x0] =	vst.idx.msk $0xffff, v27;
	v8 =	vld [tilespmem:$0x1FE80]  }
0x15c: {  	[tilespmem:v3+s16+$0x0] =	vst.idx.msk $0xffff, v13;
	v3 =	vld [tilespmem:$0x1FE90];
	_ =	sdelay $0x1  }
0x15d: {  	v18 =	vadd.f32 v18, v41;
	[tilespmem:$0x1FB60] =	vst v9;
	v9 =	vadd.s32 $0x13, v31  }
0x15e: {  	v5 =	vand.u32 $0x7F80, v5;
	v0 =	vor.u32 v6, v0;
	v6 =	vadd.s32 s4, v9  }
0x15f: {  	v7 =	vadd.f32 v7, v18;
	v5 =	vor.u32 v8, v5;
	v6 =	vand.u32 $0x7F80, v6  }
0x160: {  	[tilespmem:$0x1FB80] =	vst v9;
	v8 =	vadd.f32 v33, v17;
	v3 =	vor.u32 v3, v6  }
0x161: {  	[tilespmem:v4+s16+$0x0] =	vst.idx.msk $0xffff, v7;
	v9 =	vadd.f32 v16, v35;
	v6 =	vadd.f32 v32, v43  }
0x162: {  	v1 =	vadd.f32 v63, v1;
	[tilespmem:v2+s16+$0x0] =	vst.idx.msk $0xffff, v8  }
0x163: {  	p0 =	seq.s32 s20, $0xF;
	v2 =	vadd.f32 v37, v9;
	[tilespmem:v0+s16+$0x0] =	vst.idx.msk $0xffff, v6  }
0x164: {  	s10 =	simm.s32 @!p0 $0x2C00;
	s4 =	sadd.s32 @!p0 $0x2, s9;
	[tilespmem:v5+s16+$0x0] =	vst.idx.msk $0xffff, v1  }
0x165: {  	s9 =	simm.s32 @!p0 $0x10;
	s5 =	sshll.u32 @!p0 s4, $0x4;
	s4 =	smul.u32 @!p0 $0x500, s4;
	[tilespmem:v3+s16+$0x0] =	vst.idx.msk $0xffff, v2  }
0x166: {  	[tilespmem:s10], [sflag:$0x1] =	stream.indirect.gather @!p0 [hbm4b:s3+s9], $0x80, s5, s9, $0xb8;
	[tilespmem:$0x1B600] =	vst v63  }
0x167: {  	s4 =	sshra.s32 @!p0 s4, $0x2;
	s5 =	sadd.s32 @!p0 $0x200, s5;
	s10 =	simm.s32 @!p0 $0x3400  }
0x168: {  	[tilespmem:s10], [sflag:$0x1] =	stream.indirect.gather @!p0 [hbm4b:s3+s9], $0x80, s5, s9, $0xb8;
	[tilespmem:$0x1B600] =	vst v63  }
0x169: {  	s5 =	sadd.s32 @!p0 $0x400, s4;
	s9 =	simm.s32 @!p0 $0x40;
	s10 =	simm.s32 @!p0 $0x3C00  }
0x16a: {  	[tilespmem:s10], [sflag:$0x1] =	stream.indirect.gather @!p0 [hbm4b:s3+s9], $0x80, s5, s9, $0xb8;
	[tilespmem:$0x1B600] =	vst v63  }
0x16b: {  	s5 =	sadd.s32 @!p0 $0x440, s4;
	s10 =	simm.s32 @!p0 $0x5C00  }
0x16c: {  	[tilespmem:s10], [sflag:$0x1] =	stream.indirect.gather @!p0 [hbm4b:s3+s9], $0x80, s5, s9, $0xb8;
	[tilespmem:$0x1B600] =	vst v63  }
0x16d: {  	[tilespmem:$0x1FAF0] =	vst v26;
	s5 =	sadd.s32 @!p0 $0x480, s4;
	s10 =	simm.s32 @!p0 $0x7C00  }
0x16e: {  	[tilespmem:s10], [sflag:$0x1] =	stream.indirect.gather @!p0 [hbm4b:s3+s9], $0x80, s5, s9, $0xb8;
	[tilespmem:$0x1B600] =	vst v63  }
0x16f: {  	[tilespmem:$0x1FB30] =	vst v15;
	s5 =	sadd.s32 @!p0 $0x4C0, s4;
	s10 =	simm.s32 @!p0 $0x9C00  }
0x170: {  	[tilespmem:s10], [sflag:$0x1] =	stream.indirect.gather @!p0 [hbm4b:s3+s9], $0x80, s5, s9, $0xb8;
	[tilespmem:$0x1B600] =	vst v63  }
0x171: {  	[tilespmem:$0x1FB50] =	vst v11;
	s4 =	sadd.s32 @!p0 $0x500, s4;
	s5 =	simm.s32 @!p0 $0xBC00  }
0x172: {  	[tilespmem:s5], [sflag:$0x1] =	stream.indirect.gather @!p0 [hbm4b:s3+s9], $0x80, s4, s9, $0xb8;
	[tilespmem:$0x1B600] =	vst v63  }
0x173: {  	_ =	swait.ge [sflag:s18], $0x800  }
0x174: {  	[sflag:s18] =	ssyncset.done $0x0  }
0x175: {  	[sflag:s18] =	ssyncadd.s32 $0xFFFFF800  }
0x176: {  	_ =	swait.ge [sflag:s18], $0x800  }
0x177: {  	[sflag:s18] =	ssyncset.done $0x0  }
0x178: {  	[sflag:s18] =	ssyncadd.s32 $0xFFFFF800  }
0x179: {  	_ =	swait.ge [sflag:s18], $0xA000  }
0x17a: {  	v62 =	vld [tilespmem:$0x1FF40];
	_ =	sdelay $0x3  }
0x17b: {  	s10 =	simm.s32 $0x1  }
0x17c: {  	v2 =	vor.u32 s10, v62  }
0x17d: {  	v24 =	vld [tilespmem:$0x1FEE0];
	_ =	sdelay $0x1  }
0x17e: {  	[sflag:s18] =	ssyncset.done $0x0  }
0x17f: {  	v0 =	vor.u32 s10, v49;
	s9 =	simm.s32 $0x0;
	v16 =	vld [tilespmem:$0x1FEB0];
	[sflag:s18] =	ssyncadd.s32 $0xFFFF6000  }
0x180: {  	v1 =	vor.u32 s9, v49;
	v2 =	vld.idx.msk [tilespmem:v2+s29+$0x0], $0xffff  }
0x181: {  	v36 =	vld [tilespmem:$0x1FF90];
	v3 =	vor.u32 s10, v24  }
0x182: {  	v28 =	vld [tilespmem:$0x1FF10]  }
0x183: {  	v21 =	vld [tilespmem:$0x1FF00]  }
0x184: {  	v6 =	vld.idx.msk [tilespmem:v0+s29+$0x0], $0xffff  }
0x185: {  	v1 =	vld.idx.msk [tilespmem:v1+s29+$0x0], $0xffff;
	[tilespmem:$0x1FB90] =	vst v2  }
0x186: {  	v3 =	vld.idx.msk [tilespmem:v3+s29+$0x0], $0xffff  }
0x187: {  	v63 =	vld [tilespmem:$0x1FFC0];
	v4 =	vor.u32 s10, v16  }
0x188: {  	v44 =	vld [tilespmem:$0x1FF30];
	v5 =	vor.u32 s10, v36  }
0x189: {  	v26 =	vld [tilespmem:$0x1FEF0]  }
0x18a: {  	v30 =	vld [tilespmem:$0x1FF20]  }
0x18b: {  	v0 =	vld [tilespmem:$0x1FEA0];
	[tilespmem:$0x1FBA0] =	vst v3  }
0x18c: {  	v10 =	vld.idx.msk [tilespmem:v4+s29+$0x0], $0xffff  }
0x18d: {  	v4 =	vld.idx.msk [tilespmem:v5+s29+$0x0], $0xffff;
	v5 =	vor.u32 s10, v63  }
0x18e: {  	v25 =	vld [tilespmem:$0x1FED0]  }
0x18f: {  	v8 =	vor.u32 s10, v51;
	v45 =	vld [tilespmem:$0x1FFE0]  }
0x190: {  	v47 =	vld [tilespmem:$0x1FFD0];
	v3 =	vor.u32 s10, v21  }
0x191: {  	v18 =	vor.u32 s10, v30;
	v59 =	vor.u32 s9, v30;
	v30 =	vld [tilespmem:$0x1FFB0];
	v7 =	vor.u32 s9, v0  }
0x192: {  	v2 =	vor.u32 s10, v28;
	v13 =	vld.idx.msk [tilespmem:v5+s29+$0x0], $0xffff  }
0x193: {  	v5 =	vor.u32 s10, v0;
	v0 =	vld [tilespmem:$0x1FEC0]  }
0x194: {  	v23 =	vld.idx.msk [tilespmem:v8+s26+$0x0], $0xffff;
	v8 =	vor.u32 s10, v26  }
0x195: {  	v12 =	vld.idx.msk [tilespmem:v3+s29+$0x0], $0xffff;
	v3 =	vor.u32 s10, v45  }
0x196: {  	v9 =	vld.idx.msk [tilespmem:v7+s29+$0x0], $0xffff  }
0x197: {  	v11 =	vld.idx.msk [tilespmem:v2+s29+$0x0], $0xffff  }
0x198: {  	v15 =	vor.u32 s9, v51;
	v17 =	vor.u32 s9, v0;
	v19 =	vor.u32 s10, v0;
	v0 =	vld [tilespmem:$0x1FF60]  }
0x199: {  	v8 =	vld.idx.msk [tilespmem:v8+s29+$0x0], $0xffff  }
0x19a: {  	v2 =	vor.u32 s10, v25;
	v27 =	vld.idx.msk [tilespmem:v3+s28+$0x0], $0xffff  }
0x19b: {  	v7 =	vor.u32 s10, v44;
	v3 =	vld [tilespmem:$0x1FF80]  }
0x19c: {  	v35 =	vor.u32 s9, v25;
	v25 =	vld [tilespmem:$0x1FFA0]  }
0x19d: {  	v55 =	vor.u32 s9, v28;
	v28 =	vld.idx.msk [tilespmem:v15+s26+$0x0], $0xffff;
	v20 =	vor.u32 s10, v0  }
0x19e: {  	v24 =	vor.u32 s9, v24;
	v15 =	vld.idx.msk [tilespmem:v18+s29+$0x0], $0xffff  }
0x19f: {  	v16 =	vor.u32 s9, v16;
	v26 =	vor.u32 s9, v26;
	v22 =	vld.idx.msk [tilespmem:v2+s29+$0x0], $0xffff  }
0x1a0: {  	v14 =	vld.idx.msk [tilespmem:v7+s29+$0x0], $0xffff;
	v29 =	vor.u32 s9, v3;
	v49 =	vor.u32 s10, v3;
	v3 =	vmul.f32 v8, v23  }
0x1a1: {  	v54 =	vimm.f32 $0.0e+00;
	v57 =	vimm.f32 $0.0e+00;
	v48 =	vimm.f32 $0.0e+00;
	v46 =	vld.idx.msk [tilespmem:v5+s29+$0x0], $0xffff  }
0x1a2: {  	v56 =	vimm.f32 $0.0e+00;
	v53 =	vimm.f32 $0.0e+00;
	v51 =	vimm.f32 $0.0e+00;
	v20 =	vld.idx.msk [tilespmem:v20+s29+$0x0], $0xffff;
	[tilespmem:$0x1FBB0] =	vst v3  }
0x1a3: {  	v50 =	vor.u32 s9, v44;
	v21 =	vor.u32 s9, v21;
	v18 =	vor.u32 s10, v61;
	v8 =	vld.idx.msk [tilespmem:v24+s29+$0x0], $0xffff  }
0x1a4: {  	v39 =	vmul.f32 v22, v23;
	v22 =	vor.u32 s9, v0;
	v0 =	vmul.f32 v13, v23;
	v16 =	vld.idx.msk [tilespmem:v16+s29+$0x0], $0xffff  }
0x1a5: {  	v34 =	vor.u32 s10, v47;
	v58 =	vor.u32 s9, v36;
	v40 =	vmul.f32 v14, v23;
	v14 =	vld.idx.msk [tilespmem:v26+s29+$0x0], $0xffff  }
0x1a6: {  	v38 =	vor.u32 s10, v30;
	v61 =	vimm.f32 $0.0e+00;
	v31 =	vor.u32 s9, v25;
	v19 =	vld.idx.msk [tilespmem:v19+s29+$0x0], $0xffff;
	[tilespmem:$0x1FBC0] =	vst v0  }
0x1a7: {  	v1 =	vmul.f32 v1, v28;
	v6 =	vmul.f32 v6, v23;
	v5 =	vor.u32 s9, v47;
	v47 =	vld.idx.msk [tilespmem:v17+s29+$0x0], $0xffff  }
0x1a8: {  	v7 =	vor.u32 s9, v62;
	v36 =	vmul.f32 v15, v23;
	v15 =	vmul.f32 v9, v28;
	v43 =	vld.idx.msk [tilespmem:v21+s29+$0x0], $0xffff  }
0x1a9: {  	v2 =	vor.u32 s9, v45;
	v37 =	vmul.f32 v4, v23;
	v42 =	vmul.f32 v12, v23;
	v12 =	vld.idx.msk [tilespmem:v18+s29+$0x0], $0xffff  }
0x1aa: {  	v44 =	vmul.f32 v11, v23;
	v1 =	vadd.f32 v1, v48;
	v24 =	vor.u32 s10, v25;
	v9 =	vld.idx.msk [tilespmem:v34+s29+$0x0], $0xffff  }
0x1ab: {  	v10 =	vmul.f32 v10, v23;
	v11 =	vimm.f32 $0.0e+00;
	v45 =	vimm.f32 $0.0e+00;
	v4 =	vld.idx.msk [tilespmem:v49+s29+$0x0], $0xffff  }
0x1ac: {  	v41 =	vmul.f32 v27, v23;
	v3 =	vor.u32 s9, v30;
	v30 =	vadd.f32 v6, v1;
	v6 =	vld.idx.msk [tilespmem:v22+s29+$0x0], $0xffff  }
0x1ad: {  	v1 =	vadd.f32 v15, v48;
	v15 =	vld.idx.msk [tilespmem:v38+s29+$0x0], $0xffff;
	v17 =	vmul.f32 v8, v28;
	v8 =	vmul.f32 v16, v28  }
0x1ae: {  	v52 =	vmul.f32 v46, v23;
	v13 =	vor.u32 s9, v63;
	v0 =	vimm.f32 $0.0e+00;
	v16 =	vld.idx.msk [tilespmem:v31+s29+$0x0], $0xffff  }
0x1af: {  	v60 =	vmul.f32 v14, v28;
	v14 =	vadd.f32 v8, v48;
	v8 =	vld.idx.msk [tilespmem:v24+s29+$0x0], $0xffff;
	[tilespmem:$0x1FBD0] =	vst v0;
	v0 =	vimm.f32 $0.0e+00  }
0x1b0: {  	v46 =	vimm.f32 $0.0e+00;
	v49 =	vimm.f32 $0.0e+00;
	[tilespmem:$0x1FBE0] =	vst v0;
	v0 =	vimm.f32 $0.0e+00  }
0x1b1: {  	v34 =	vimm.f32 $0.0e+00;
	v32 =	vmul.f32 v20, v23;
	v18 =	vld.idx.msk [tilespmem:v29+s29+$0x0], $0xffff;
	[tilespmem:$0x1FBF0] =	vst v0;
	v0 =	vimm.f32 $0.0e+00  }
0x1b2: {  	s4 =	simm.s32 $0x2;
	v33 =	vmul.f32 v19, v23;
	v31 =	vimm.f32 $0.0e+00;
	v24 =	vimm.f32 $0.0e+00;
	v19 =	vld.idx.msk [tilespmem:v35+s29+$0x0], $0xffff;
	[tilespmem:$0x1FC00] =	vst v0  }
.LBB2_5:
0x1b3: {  	v35 =	vld [tilespmem:$0x1FF70]  }
0x1b4: {  	v7 =	vld.idx.msk [tilespmem:v7+s29+$0x0], $0xffff  }
0x1b5: {  	[tilespmem:$0x1FA80] =	vst v30;
	v30 =	vld [tilespmem:$0x1FEB0]  }
0x1b6: {  	v29 =	vld [tilespmem:$0x1FEA0]  }
0x1b7: {  	v38 =	vld.idx.msk [tilespmem:v13+s29+$0x0], $0xffff  }
0x1b8: {  	v5 =	vld.idx.msk [tilespmem:v5+s29+$0x0], $0xffff  }
0x1b9: {  	[tilespmem:$0x1FA50] =	vst v31;
	v31 =	vld [tilespmem:$0x1FEC0]  }
0x1ba: {  	v27 =	vld.idx.msk [tilespmem:v3+s29+$0x0], $0xffff  }
0x1bb: {  	v2 =	vld.idx.msk [tilespmem:v2+s28+$0x0], $0xffff  }
0x1bc: {  	v59 =	vld.idx.msk [tilespmem:v59+s29+$0x0], $0xffff  }
0x1bd: {  	v55 =	vld.idx.msk [tilespmem:v55+s29+$0x0], $0xffff  }
0x1be: {  	v50 =	vld.idx.msk [tilespmem:v50+s29+$0x0], $0xffff  }
0x1bf: {  	[tilespmem:$0x1FA30] =	vst v41;
	v41 =	vmov v37;
	v37 =	vmov v36;
	v36 =	vld [tilespmem:$0x1FFF0]  }
0x1c0: {  	[tilespmem:$0x1FA70] =	vst v33;
	v33 =	vld [tilespmem:$0x1FF40];
	v1 =	vadd.f32 v52, v1  }
0x1c1: {  	v21 =	vmul.f32 v4, v23;
	v4 =	vld [tilespmem:$0x1FF50]  }
0x1c2: {  	[tilespmem:$0x1FA90] =	vst v1;
	v1 =	vld [tilespmem:$0x1FBA0]  }
0x1c3: {  	v18 =	vmul.f32 v18, v28;
	[tilespmem:$0x1FA40] =	vst v32;
	v32 =	vld [tilespmem:$0x1FEE0]  }
0x1c4: {  	v17 =	vadd.f32 v17, v48;
	v52 =	vld.idx.msk [tilespmem:v58+s29+$0x0], $0xffff;
	v20 =	vor.u32 s9, v35;
	s9 =	smov.u32 s4  }
0x1c5: {  	v10 =	vadd.f32 v10, v14;
	v58 =	vld [tilespmem:$0x1FF10];
	v18 =	vadd.f32 v18, v54;
	v0 =	vor.u32 s9, v30  }
0x1c6: {  	s5 =	sadd.s32 $0x1, s4;
	v3 =	vmul.f32 v12, v23;
	v48 =	vmul.f32 v38, v28;
	v38 =	vld [tilespmem:$0x1FFC0];
	[tilespmem:$0x1FA60] =	vst v0;
	v0 =	vor.u32 s9, v4  }
0x1c7: {  	v6 =	vmul.f32 v6, v28;
	v12 =	vor.u32 s5, v33;
	v54 =	vmul.f32 v1, v23;
	v1 =	vld [tilespmem:$0x1FB90]  }
0x1c8: {  	v16 =	vmul.f32 v16, v28;
	[tilespmem:$0x1FAA0] =	vst v10;
	v10 =	vor.u32 s5, v30;
	v5 =	vmul.f32 v5, v28;
	v30 =	vld [tilespmem:$0x1FF00]  }
0x1c9: {  	v13 =	vor.u32 s9, v31;
	v6 =	vadd.f32 v6, v51;
	v51 =	vor.u32 s5, v31;
	v31 =	vld [tilespmem:$0x1FF20]  }
0x1ca: {  	v9 =	vmul.f32 v9, v23;
	v22 =	vor.u32 s9, v29;
	v63 =	vor.u32 s5, v4;
	v4 =	vld [tilespmem:$0x1FF90]  }
0x1cb: {  	v16 =	vadd.f32 v16, v24;
	v24 =	vmul.f32 v8, v23;
	v5 =	vadd.f32 v5, v53;
	v8 =	vld.idx.msk [tilespmem:v0+s29+$0x0], $0xffff  }
0x1cc: {  	v25 =	vor.u32 s5, v32;
	v0 =	vmul.f32 v2, v28;
	v2 =	vmul.f32 v1, v23;
	v1 =	vld.idx.msk [tilespmem:v12+s29+$0x0], $0xffff  }
0x1cd: {  	v53 =	vadd.f32 v9, v5;
	v5 =	vld [tilespmem:$0x1FA30]  }
0x1ce: {  	v11 =	vadd.f32 v48, v11;
	v20 =	vld.idx.msk [tilespmem:v20+s29+$0x0], $0xffff  }
0x1cf: {  	v48 =	vadd.f32 v54, v17;
	v54 =	vadd.f32 v21, v18;
	v18 =	vld.idx.msk [tilespmem:v22+s29+$0x0], $0xffff  }
0x1d0: {  	v62 =	vor.u32 s5, v36;
	v22 =	vmul.f32 v50, v28;
	v50 =	vld [tilespmem:$0x1FF30]  }
0x1d1: {  	[tilespmem:$0x1FB90] =	vst v1;
	v1 =	vld.idx.msk [tilespmem:v25+s29+$0x0], $0xffff  }
0x1d2: {  	v14 =	vld.idx.msk [tilespmem:v63+s29+$0x0], $0xffff  }
0x1d3: {  	v17 =	vor.u32 s5, v58;
	v63 =	vld.idx.msk [tilespmem:v10+s29+$0x0], $0xffff  }
0x1d4: {  	v7 =	vmul.f32 v7, v28;
	v21 =	vor.u32 s5, v38;
	v10 =	vld [tilespmem:$0x1FEF0]  }
0x1d5: {  	v43 =	vmul.f32 v43, v28;
	v15 =	vmul.f32 v15, v23;
	v23 =	vld.idx.msk [tilespmem:v62+s26+$0x0], $0xffff  }
0x1d6: {  	v7 =	vadd.f32 v7, v45;
	v12 =	vmul.f32 v47, v28;
	v47 =	vor.u32 s5, v30;
	[tilespmem:$0x1FBA0] =	vst v1;
	v1 =	vld [tilespmem:$0x1FBD0]  }
0x1d7: {  	v49 =	vadd.f32 v60, v49;
	v19 =	vmul.f32 v19, v28;
	v27 =	vmul.f32 v27, v28;
	v62 =	vld.idx.msk [tilespmem:v51+s29+$0x0], $0xffff  }
0x1d8: {  	v45 =	vadd.f32 v2, v7;
	v7 =	vmul.f32 v55, v28;
	v60 =	vld.idx.msk [tilespmem:v17+s29+$0x0], $0xffff;
	v2 =	vor.u32 s5, v50  }
0x1d9: {  	v19 =	vadd.f32 v19, v57;
	v20 =	vmul.f32 v20, v28;
	v55 =	vor.u32 s5, v31;
	v21 =	vld.idx.msk [tilespmem:v21+s29+$0x0], $0xffff  }
0x1da: {  	v25 =	vmul.f32 v59, v28;
	v28 =	vmul.f32 v52, v28;
	v52 =	vadd.f32 v7, v56;
	v7 =	vld [tilespmem:$0x1FBE0]  }
0x1db: {  	v57 =	vadd.f32 v39, v19;
	v39 =	vld.idx.msk [tilespmem:v47+s29+$0x0], $0xffff;
	v22 =	vadd.f32 v22, v1  }
0x1dc: {  	v56 =	vld [tilespmem:$0x1FBF0]  }
0x1dd: {  	v17 =	vor.u32 s5, v10;
	v22 =	vadd.f32 v40, v22;
	v40 =	vld.idx.msk [tilespmem:v2+s29+$0x0], $0xffff  }
0x1de: {  	v26 =	vor.u32 s5, v4;
	v2 =	vor.u32 s5, v29;
	v29 =	vld.idx.msk [tilespmem:v55+s29+$0x0], $0xffff  }
0x1df: {  	v7 =	vadd.f32 v43, v7;
	v55 =	vor.u32 s9, v58;
	v58 =	vor.u32 s9, v4;
	v4 =	vld [tilespmem:$0x1FA40]  }
0x1e0: {  	v47 =	vld [tilespmem:$0x1FFE0]  }
0x1e1: {  	v59 =	vld [tilespmem:$0x1FF80];
	v7 =	vadd.f32 v42, v7  }
0x1e2: {  	v24 =	vadd.f32 v24, v16;
	v30 =	vor.u32 s9, v30;
	v16 =	vld.idx.msk [tilespmem:v17+s29+$0x0], $0xffff;
	v25 =	vadd.f32 v25, v56  }
0x1e3: {  	[tilespmem:$0x1FBE0] =	vst v7;
	v7 =	vadd.f32 v28, v34;
	v34 =	vld [tilespmem:$0x1FF60]  }
0x1e4: {  	v25 =	vadd.f32 v37, v25;
	v51 =	vadd.f32 v4, v6;
	v4 =	vld [tilespmem:$0x1FA50]  }
0x1e5: {  	v28 =	vld [tilespmem:$0x1FC00]  }
0x1e6: {  	[tilespmem:$0x1FBF0] =	vst v25;
	v25 =	vor.u32 s9, v36;
	v1 =	vld [tilespmem:$0x1FED0]  }
0x1e7: {  	v43 =	vld.idx.msk [tilespmem:v30+s29+$0x0], $0xffff;
	[tilespmem:$0x1FBD0] =	vst v22;
	v22 =	vor.u32 s5, v47  }
0x1e8: {  	v42 =	vadd.f32 v41, v7;
	v41 =	vld [tilespmem:$0x1FFA0]  }
0x1e9: {  	v56 =	vadd.f32 v44, v52;
	v17 =	vor.u32 s5, v34;
	v52 =	vadd.f32 v12, v4;
	v4 =	vld [tilespmem:$0x1FA60]  }
0x1ea: {  	v30 =	vld [tilespmem:$0x1FFB0]  }
0x1eb: {  	v0 =	vadd.f32 v0, v61;
	v27 =	vadd.f32 v27, v28;
	v28 =	vld.idx.msk [tilespmem:v25+s26+$0x0], $0xffff;
	v19 =	vor.u32 s5, v1  }
0x1ec: {  	v9 =	vld.idx.msk [tilespmem:v22+s28+$0x0], $0xffff  }
0x1ed: {  	v61 =	vadd.f32 v5, v0;
	v0 =	vor.u32 s9, v41;
	v22 =	vld.idx.msk [tilespmem:v2+s29+$0x0], $0xffff  }
0x1ee: {  	v2 =	vadd.f32 v15, v27;
	v15 =	vld.idx.msk [tilespmem:v17+s29+$0x0], $0xffff  }
0x1ef: {  	v27 =	vld [tilespmem:$0x1FFD0]  }
0x1f0: {  	v19 =	vld.idx.msk [tilespmem:v19+s29+$0x0], $0xffff  }
0x1f1: {  	v44 =	vld.idx.msk [tilespmem:v4+s29+$0x0], $0xffff  }
0x1f2: {  	v4 =	vmul.f32 v16, v23;
	v16 =	vld.idx.msk [tilespmem:v0+s29+$0x0], $0xffff  }
0x1f3: {  	v36 =	vor.u32 s9, v32;
	v0 =	vld [tilespmem:$0x1FA80]  }
0x1f4: {  	[tilespmem:$0x1FC00] =	vst v2;
	v2 =	vor.u32 s9, v47;
	v47 =	vld.idx.msk [tilespmem:v13+s29+$0x0], $0xffff;
	v25 =	vor.u32 s5, v27  }
0x1f5: {  	v6 =	vor.u32 s9, v34;
	v34 =	vmov v42;
	v42 =	vmul.f32 v39, v23;
	v13 =	vld [tilespmem:$0x1FBB0]  }
0x1f6: {  	v17 =	vadd.f32 v20, v46;
	v39 =	vmul.f32 v19, v23;
	v19 =	vmul.f32 v8, v28;
	[tilespmem:$0x1FBB0] =	vst v4;
	v4 =	vld [tilespmem:$0x1FBC0]  }
0x1f7: {  	v26 =	vld.idx.msk [tilespmem:v26+s29+$0x0], $0xffff;
	v14 =	vmul.f32 v14, v23;
	v37 =	vor.u32 s9, v10  }
0x1f8: {  	v10 =	vor.u32 s9, v1;
	v46 =	vadd.f32 v3, v17;
	v17 =	vld.idx.msk [tilespmem:v36+s29+$0x0], $0xffff;
	v0 =	vadd.f32 v19, v0  }
0x1f9: {  	v1 =	vor.u32 s9, v59;
	v36 =	vor.u32 s5, v41;
	v41 =	vmul.f32 v9, v23;
	v9 =	vld.idx.msk [tilespmem:v25+s29+$0x0], $0xffff  }
0x1fa: {  	v3 =	vor.u32 s9, v30;
	v25 =	vor.u32 s5, v30;
	v30 =	vadd.f32 v14, v0;
	v0 =	vld [tilespmem:$0x1FA90]  }
0x1fb: {  	v11 =	vadd.f32 v4, v11;
	v4 =	vld [tilespmem:$0x1FA70]  }
0x1fc: {  	v6 =	vld.idx.msk [tilespmem:v6+s29+$0x0], $0xffff;
	v49 =	vadd.f32 v13, v49;
	v13 =	vor.u32 s5, v35  }
0x1fd: {  	v20 =	vor.u32 s5, v59;
	v5 =	vor.u32 s9, v27;
	v27 =	vld.idx.msk [tilespmem:v37+s29+$0x0], $0xffff;
	v19 =	vmul.f32 v18, v28  }
0x1fe: {  	v7 =	vor.u32 s9, v33;
	v33 =	vmul.f32 v62, v23;
	v18 =	vld.idx.msk [tilespmem:v1+s29+$0x0], $0xffff  }
0x1ff: {  	p0 =	slt.u32 s4, $0x3E;
	v40 =	vmul.f32 v40, v23;
	v59 =	vor.u32 s9, v31;
	v1 =	vadd.f32 v19, v0;
	v0 =	vld [tilespmem:$0x1FAA0]  }
.Ltmp1:
0x200: {  	v32 =	vmul.f32 v15, v23;
	v8 =	vld.idx.msk [tilespmem:v36+s29+$0x0], $0xffff;
	v31 =	vadd.f32 v4, v52;
	v4 =	vmul.f32 v21, v23;
	(pc) =	sbr.rel @p0 .LBB2_5-.Ltmp1, $4  }
0x201: {  	v37 =	vmul.f32 v26, v23;
	v36 =	vmul.f32 v29, v23;
	v12 =	vld.idx.msk [tilespmem:v13+s29+$0x0], $0xffff  }
0x202: {  	v50 =	vor.u32 s9, v50;
	v17 =	vmul.f32 v17, v28;
	[tilespmem:$0x1FBC0] =	vst v4;
	v4 =	vld.idx.msk [tilespmem:v20+s29+$0x0], $0xffff;
	v20 =	vmul.f32 v44, v28  }
0x203: {  	v13 =	vor.u32 s9, v38;
	v52 =	vmul.f32 v22, v23;
	v19 =	vld.idx.msk [tilespmem:v10+s29+$0x0], $0xffff;
	v10 =	vmul.f32 v63, v23  }
0x204: {  	s4 =	sadd.s32 $0x2, s4;
	v15 =	vld.idx.msk [tilespmem:v25+s29+$0x0], $0xffff;
	v44 =	vmul.f32 v60, v23;
	v60 =	vmul.f32 v27, v28;
	v14 =	vadd.f32 v20, v0  }
0x205: {  	_ =	sdelay $0x3  }
0x206: {  	v0 =	vld.idx.msk [tilespmem:v7+s29+$0x0], $0xffff  }
0x207: {  	v35 =	vld.idx.msk [tilespmem:v13+s29+$0x0], $0xffff  }
0x208: {  	v29 =	vld [tilespmem:$0x1FF70]  }
0x209: {  	v2 =	vld.idx.msk [tilespmem:v2+s28+$0x0], $0xffff  }
0x20a: {  	v5 =	vld.idx.msk [tilespmem:v5+s29+$0x0], $0xffff  }
0x20b: {  	v20 =	vld.idx.msk [tilespmem:v55+s29+$0x0], $0xffff  }
0x20c: {  	v21 =	vld [tilespmem:$0x1FB90]  }
0x20d: {  	v38 =	vld.idx.msk [tilespmem:v50+s29+$0x0], $0xffff  }
0x20e: {  	v22 =	vld [tilespmem:$0x1FE60]  }
0x20f: {  	v3 =	vld.idx.msk [tilespmem:v3+s29+$0x0], $0xffff  }
0x210: {  	v25 =	vld.idx.msk [tilespmem:v59+s29+$0x0], $0xffff  }
0x211: {  	v26 =	vld [tilespmem:$0x1FE30]  }
0x212: {  	v27 =	vld [tilespmem:$0x1FE40]  }
0x213: {  	v50 =	vld [tilespmem:$0x1FBD0]  }
0x214: {  	v16 =	vmul.f32 v16, v28;
	v55 =	vld [tilespmem:$0x1FAC0]  }
0x215: {  	v18 =	vmul.f32 v18, v28;
	v59 =	vld [tilespmem:$0x1FBA0]  }
0x216: {  	v16 =	vadd.f32 v16, v24;
	v24 =	vld [tilespmem:$0x1FDF0];
	v19 =	vmul.f32 v19, v28  }
0x217: {  	v18 =	vadd.f32 v18, v54;
	v54 =	vld [tilespmem:$0x1FBC0]  }
0x218: {  	v19 =	vadd.f32 v19, v57;
	v5 =	vmul.f32 v5, v28;
	v57 =	vmul.f32 v15, v23;
	v15 =	vld [tilespmem:$0x1FAD0]  }
0x219: {  	v13 =	vor.u32 s9, v29;
	v7 =	vmul.f32 v35, v28;
	v20 =	vmul.f32 v20, v28;
	v35 =	vld [tilespmem:$0x1FB00]  }
0x21a: {  	v2 =	vmul.f32 v2, v28;
	v5 =	vadd.f32 v5, v53;
	v53 =	vld [tilespmem:$0x1FAB0]  }
0x21b: {  	v20 =	vadd.f32 v20, v56;
	v56 =	vld [tilespmem:$0x1FC00]  }
0x21c: {  	v2 =	vadd.f32 v2, v61;
	v61 =	vld [tilespmem:$0x1FAF0]  }
0x21d: {  	v0 =	vmul.f32 v0, v28;
	v63 =	vadd.f32 v39, v19;
	v39 =	vld [tilespmem:$0x1FB10]  }
0x21e: {  	v9 =	vmul.f32 v9, v23;
	v13 =	vld.idx.msk [tilespmem:v13+s29+$0x0], $0xffff  }
0x21f: {  	v21 =	vmul.f32 v21, v23;
	v0 =	vadd.f32 v0, v45;
	v19 =	vld [tilespmem:$0x1FEC0]  }
0x220: {  	v5 =	vadd.f32 v9, v5;
	v9 =	vld.idx.msk [tilespmem:v58+s29+$0x0], $0xffff  }
0x221: {  	v17 =	vadd.f32 v17, v48;
	v0 =	vadd.f32 v21, v0;
	v58 =	vld [tilespmem:$0x1FAE0]  }
0x222: {  	v2 =	vadd.f32 v41, v2;
	v48 =	vadd.f32 v44, v20;
	v41 =	vmul.f32 v47, v28;
	v20 =	vld [tilespmem:$0x1FFE0]  }
0x223: {  	v21 =	vlaneseq.u32;
	v44 =	vmul.f32 v43, v28;
	v43 =	vld [tilespmem:$0x1FFC0];
	v13 =	vmul.f32 v13, v28  }
0x224: {  	v7 =	vadd.f32 v7, v11;
	v21 =	vor.u32 s22, v21;
	v47 =	vadd.f32 v41, v31;
	v41 =	vld [tilespmem:$0x1FFA0]  }
0x225: {  	v12 =	vmul.f32 v12, v23;
	v31 =	vld [tilespmem:$0x1FEF0];
	v13 =	vadd.f32 v13, v46  }
0x226: {  	v7 =	vadd.f32 v54, v7;
	v54 =	vadd.f32 v33, v47;
	v33 =	vld [tilespmem:$0x1FF00]  }
0x227: {  	v22 =	vadd.s32 s21, v22;
	v11 =	vmul.f32 v38, v28;
	v45 =	vadd.f32 v12, v13;
	v12 =	vld [tilespmem:$0x1FE50]  }
0x228: {  	v13 =	vld [tilespmem:$0x1FE70]  }
0x229: {  	v24 =	vadd.s32 s21, v24;
	[tilespmem:v21+s15+$0x0] =	vst.idx.msk $0xffff, v2;
	v2 =	vadd.f32 v11, v50;
	v50 =	vld [tilespmem:$0x1FBF0]  }
0x22a: {  	v26 =	vadd.s32 s21, v26;
	v11 =	vadd.s32 s21, v53;
	v53 =	vld [tilespmem:$0x1FB50]  }
0x22b: {  	v27 =	vadd.s32 s21, v27;
	v21 =	vld [tilespmem:$0x1FFD0]  }
0x22c: {  	[tilespmem:v22+s16+$0x0] =	vst.idx.msk $0xffff, v5;
	v22 =	vmov v29;
	v29 =	vld [tilespmem:$0x1FF40];
	v46 =	vmul.f32 v8, v23;
	v12 =	vadd.s32 s21, v12  }
0x22d: {  	v2 =	vadd.f32 v40, v2;
	v40 =	vadd.f32 v60, v49;
	v49 =	vld [tilespmem:$0x1FBE0];
	v13 =	vadd.s32 s21, v13  }
0x22e: {  	v60 =	vld [tilespmem:$0x1FB80];
	[tilespmem:v24+s16+$0x0] =	vst.idx.msk $0xffff, v45  }
0x22f: {  	v3 =	vmul.f32 v3, v28;
	v5 =	vadd.f32 v46, v16;
	v46 =	vld [tilespmem:$0x1FBB0];
	[tilespmem:v26+s16+$0x0] =	vst.idx.msk $0xffff, v48  }
0x230: {  	v8 =	vadd.s32 s21, v55;
	v24 =	vld [tilespmem:$0x1FF10];
	[tilespmem:v27+s16+$0x0] =	vst.idx.msk $0xffff, v0  }
0x231: {  	v15 =	vadd.s32 s21, v15;
	v0 =	vadd.f32 v3, v56;
	[tilespmem:v12+s16+$0x0] =	vst.idx.msk $0xffff, v7;
	v12 =	vld [tilespmem:$0x1FB20]  }
0x232: {  	v4 =	vmul.f32 v4, v23;
	v7 =	vadd.s32 s21, v58;
	[tilespmem:v13+s16+$0x0] =	vst.idx.msk $0xffff, v5;
	v13 =	vld [tilespmem:$0x1FB30]  }
0x233: {  	v48 =	vld [tilespmem:$0x1FB40];
	v3 =	vadd.s32 s21, v61;
	v0 =	vadd.f32 v57, v0;
	v5 =	vmul.f32 v59, v23  }
0x234: {  	v56 =	vld [tilespmem:$0x1FB60];
	[tilespmem:v11+s16+$0x0] =	vst.idx.msk $0xffff, v2;
	v11 =	vadd.s32 s21, v35  }
0x235: {  	v4 =	vadd.f32 v4, v18;
	v27 =	vld [tilespmem:$0x1FED0];
	[tilespmem:v8+s16+$0x0] =	vst.idx.msk $0xffff, v0;
	v38 =	vadd.f32 v5, v17;
	v5 =	vadd.s32 s21, v39  }
0x236: {  	v62 =	vadd.f32 v10, v14;
	v55 =	vmul.f32 v6, v28;
	v58 =	vld [tilespmem:$0x1FB70];
	[tilespmem:v15+s16+$0x0] =	vst.idx.msk $0xffff, v63;
	v12 =	vadd.s32 s21, v12  }
0x237: {  	v45 =	vmul.f32 v25, v28;
	v57 =	vmul.f32 v9, v28;
	v28 =	vld [tilespmem:$0x1FEE0];
	[tilespmem:v7+s16+$0x0] =	vst.idx.msk $0xffff, v4;
	v13 =	vadd.s32 s21, v13  }
0x238: {  	v59 =	vadd.f32 v55, v51;
	v51 =	vld [tilespmem:$0x1FFF0];
	v2 =	vadd.f32 v46, v40;
	v8 =	vadd.s32 s21, v48;
	[tilespmem:v3+s16+$0x0] =	vst.idx.msk $0xffff, v62  }
0x239: {  	v0 =	vadd.f32 v44, v49;
	v49 =	vld [tilespmem:$0x1FF50];
	v4 =	vadd.f32 v45, v50;
	v7 =	vadd.s32 s21, v53;
	[tilespmem:v11+s16+$0x0] =	vst.idx.msk $0xffff, v38  }
0x23a: {  	v39 =	vld [tilespmem:$0x1FF60];
	[tilespmem:v5+s16+$0x0] =	vst.idx.msk $0xffff, v2;
	v5 =	vadd.s32 s21, v56  }
0x23b: {  	s20 =	sadd.s32 $0x1, s20;
	v44 =	vld [tilespmem:$0x1FF90];
	v9 =	vadd.s32 s21, v58;
	v4 =	vadd.f32 v36, v4;
	[tilespmem:v12+s16+$0x0] =	vst.idx.msk $0xffff, v30  }
0x23c: {  	p0 =	sne.s32 s20, $0x10;
	v15 =	vld [tilespmem:$0x1FEB0];
	v0 =	vadd.f32 v42, v0;
	v3 =	vadd.s32 s21, v60;
	[tilespmem:v13+s16+$0x0] =	vst.idx.msk $0xffff, v54  }
.Ltmp2:
0x23d: {  	v1 =	vadd.f32 v52, v1;
	v61 =	vadd.f32 v57, v34;
	v42 =	vld [tilespmem:$0x1FFB0];
	[tilespmem:v8+s16+$0x0] =	vst.idx.msk $0xffff, v4;
	(pc) =	sbr.rel @p0 .LBB2_2-.Ltmp2, $4  }
0x23e: {  	v62 =	vadd.f32 v32, v59;
	v32 =	vld [tilespmem:$0x1FF80];
	[tilespmem:v7+s16+$0x0] =	vst.idx.msk $0xffff, v0  }
0x23f: {  	v63 =	vadd.f32 v37, v61;
	v38 =	vld [tilespmem:$0x1FF20];
	[tilespmem:v5+s16+$0x0] =	vst.idx.msk $0xffff, v1  }
0x240: {  	v30 =	vld [tilespmem:$0x1FF30];
	[tilespmem:v9+s16+$0x0] =	vst.idx.msk $0xffff, v62  }
0x241: {  	v13 =	vld [tilespmem:$0x1FEA0];
	[tilespmem:v3+s16+$0x0] =	vst.idx.msk $0xffff, v63  }
0x242: {  	s4 =	rddreg [dreg:$0x5]  }
0x243: {  	[hbm4b:s4+s1] =	stream.linear.scatter [tilespmem:s15], [sflag:$0x3], $0x200, $0x38;
	[tilespmem:$0x1B600] =	vst v63  }
0x244: {  	s19 =	sadd.s32 $0x1, s19;
	_ =	swait.ge [sflag:s23], $0x200  }
0x245: {  	p0 =	sne.s32 s19, s17;
	[sflag:s23] =	ssyncset.done $0x0  }
.Ltmp3:
0x246: {  	[sflag:s23] =	ssyncadd.s32 $0xFFFFFE00;
	(pc) =	sbr.rel @p0 .LBB2_1-.Ltmp3, $4  }
0x247: {  	[hbm4b:s8+s1] =	stream.linear.scatter [tilespmem:s16], [sflag:$0x3], $0x2800, $0x38;
	[tilespmem:$0x1B600] =	vst v63  }
0x248: {  	_ =	swait.ge [sflag:s23], $0x2800  }
0x249: {  	[sflag:s23] =	ssyncset.done $0x0  }
0x24a: {  	[sflag:s23] =	ssyncadd.s32 $0xFFFFD800  }
0x24b: {  	_ =	sfence.sel $0x180000  }
0x24c: {  	[bflag:$0x0] =	sbarrier.arrive $0xFFFF  }
0x24d: {  	_ =	strace $0x90000047  }
0x24e: {  	s0 =	stileid.u32;
	[bflag:$0x2] =	sbarrier.arrive $0xFFFF  }
0x24f: {  	p0 =	sne.s32 s0, $0x0;
	s0 =	rddreg [dreg:$0x3]  }
0x250: {  	s0 =	sadd.s32 @!p0 $0x100000, s0  }
0x251: {  	[sflag:s0] =	ssyncadd.tile.s32 @!p0 $0x1;
	_ =	shalt  }
.Lfunc_end2:
_tile_overlayer_lowered:
.L_overlay_start_2:
0x252: {  	(tag) =	ssettag $0x2  }
0x253: {  	s0 =	rddreg [dreg:$0x0];
	s2 =	stileid.u32  }
0x254: {  	s1 =	rddreg [dreg:$0x1];
	p0 =	sne.s32 s2, $0x0  }
0x255: {  	s3 =	rddreg [dreg:$0x2];
	[bflag:$0x3] =	sbarrier.arrive $0xFFFF;
	s2 =	simm.s32 @!p0 $0x1C03  }
0x256: {  	[timem:s3], [sflag:s2] =	dma.local @!p0 [hbm:s0], s1  }
0x257: {  	s0 =	simm.s32 @!p0 $0x3  }
0x258: {  	_ =	swait.ge @!p0 [sflag:s0], s1  }
0x259: {  	s1 =	ssub.s32 @!p0 $0x0, s1;
	[sflag:s0] =	ssyncset.done @!p0 $0x0  }
0x25a: {  	[sflag:s0] =	ssyncadd.s32 @!p0 s1  }
0x25b: {  	[bflag:$0x3] =	sbarrier.arrive $0xFFFF  }
0x25c: {  	_ =	shalt  }

</sc_bundles>
